<compile_context>
chip_gen: v7x
topology: tpu7x:2x2x1
jax: 0.10.2.dev20260603
libtpu: 0.0.44.dev20260713+nightly
codegen_flags: <defaults>
</compile_context>

<pallas_src>
import functools

import jax
import jax.numpy as jnp
from jax import lax
from jax.experimental import pallas as pl
from jax.experimental.pallas import tpu as pltpu
from jax.experimental.pallas import tpu_sc as plsc

N = 10000
E = 320000
D = 128

CH = 80
NCHUNK = E // CH
CPT = NCHUNK // 16
CPT2 = NCHUNK // 32
RPT = N // 16
ZR = 125
EPT = E // 32


def _sc_mesh():
    return plsc.VectorSubcoreMesh(core_axis_name="c", subcore_axis_name="s")



def _edge_encode(xe, we, be, wp3, bp):
    BE = 8000

    def body(xe_ref, we_ref, be_ref, wp3_ref, bp_ref, e_ref, pe_ref):
        e = jnp.maximum(
            jnp.dot(xe_ref[...], we_ref[...],
                    preferred_element_type=jnp.float32) + be_ref[...], 0.0)
        e_ref[...] = e
        pe_ref[...] = jnp.dot(e, wp3_ref[...],
                              preferred_element_type=jnp.float32) + bp_ref[...]

    return pl.pallas_call(
        body,
        grid=(E // BE,),
        in_specs=[
            pl.BlockSpec((BE, D), lambda i: (i, 0)),
            pl.BlockSpec((D, D), lambda i: (0, 0)),
            pl.BlockSpec((1, D), lambda i: (0, 0)),
            pl.BlockSpec((D, 1), lambda i: (0, 0)),
            pl.BlockSpec((1, 1), lambda i: (0, 0)),
        ],
        out_specs=[
            pl.BlockSpec((BE, D), lambda i: (i, 0)),
            pl.BlockSpec((BE, 1), lambda i: (i, 0)),
        ],
        out_shape=[
            jax.ShapeDtypeStruct((E, D), jnp.float32),
            jax.ShapeDtypeStruct((E, 1), jnp.float32),
        ],
    )(xe, we, be.reshape(1, D), wp3, bp.reshape(1, 1))


def _node_encode(xn, wn, bn):
    def body(x_ref, w_ref, b_ref, o_ref):
        o_ref[...] = jnp.maximum(
            jnp.dot(x_ref[...], w_ref[...],
                    preferred_element_type=jnp.float32) + b_ref[...], 0.0)

    return pl.pallas_call(
        body,
        out_shape=jax.ShapeDtypeStruct((N, D), jnp.float32),
    )(xn, wn, bn.reshape(1, D))


def _layer1(n, sn, se, deg, w1s, w1n, b1):
    def body(n_ref, sn_ref, se_ref, deg_ref, ws_ref, wn_ref, b_ref, h_ref):
        agg = (sn_ref[...] + se_ref[...]) / jnp.maximum(deg_ref[...], 1.0)
        h_ref[...] = jnp.maximum(
            jnp.dot(n_ref[...], ws_ref[...], preferred_element_type=jnp.float32)
            + jnp.dot(agg, wn_ref[...], preferred_element_type=jnp.float32)
            + b_ref[...], 0.0)

    return pl.pallas_call(
        body,
        out_shape=jax.ShapeDtypeStruct((N, D), jnp.float32),
    )(n, sn, se, deg.reshape(N, 1), w1s, w1n, b1.reshape(1, D))


def _layer2_predict(h, sha, shb, se, deg, w2s, w2n, b2, wp12):
    def body(h_ref, sa_ref, sb_ref, se_ref, deg_ref, ws_ref, wn_ref, b_ref,
             wp_ref, p_ref):
        agg = (sa_ref[...] + sb_ref[...] + se_ref[...]) / jnp.maximum(
            deg_ref[...], 1.0)
        h2 = (jnp.dot(h_ref[...], ws_ref[...],
                      preferred_element_type=jnp.float32)
              + jnp.dot(agg, wn_ref[...], preferred_element_type=jnp.float32)
              + b_ref[...])
        p_ref[...] = jnp.dot(h2, wp_ref[...],
                             preferred_element_type=jnp.float32)

    return pl.pallas_call(
        body,
        out_shape=jax.ShapeDtypeStruct((N, 2), jnp.float32),
    )(h, sha, shb, se, deg.reshape(N, 1), w2s, w2n, b2.reshape(1, D), wp12)



def _seg1(e, nfeat, src2d, dst2d, zrows, zdeg):

    @functools.partial(
        pl.kernel,
        out_type=[
            jax.ShapeDtypeStruct((N, D), jnp.float32),
            jax.ShapeDtypeStruct((N, D), jnp.float32),
            jax.ShapeDtypeStruct((N,), jnp.float32),
        ],
        mesh=_sc_mesh(),
        compiler_params=pltpu.CompilerParams(use_tc_tiling_on_sc=False),
        scratch_types=[
            pltpu.VMEM((CPT, CH), jnp.int32),
            pltpu.VMEM((CPT, CH), jnp.int32),
            pltpu.VMEM((CH, D), jnp.float32),
            pltpu.VMEM((CH,), jnp.float32),
            pltpu.VMEM_SHARED((N, D), jnp.float32),
            pltpu.VMEM_SHARED((N,), jnp.float32),
            pltpu.SemaphoreType.DMA,
        ],
    )
    def k(e_hbm, n_hbm, src_hbm, dst_hbm, zr_hbm, zd_hbm,
          se_hbm, sn_hbm, deg_hbm,
          sbuf, dbuf, rowbuf, ones, acc, degacc, sem):
        c = lax.axis_index("c")
        t = lax.axis_index("s")

        for r in range(RPT // ZR):
            pltpu.sync_copy(zr_hbm, acc.at[pl.ds(t * RPT + r * ZR, ZR)])

        @pl.when(jnp.logical_and(c == 0, t == 0))
        def _():
            pltpu.sync_copy(zd_hbm, degacc)

        pltpu.sync_copy(dst_hbm.at[pl.ds(t * CPT, CPT)], dbuf)

        @pl.when(c == 1)
        def _():
            pltpu.sync_copy(src_hbm.at[pl.ds(t * CPT, CPT)], sbuf)

        for j in range(CH // 16):
            ones[pl.ds(j * 16, 16)] = jnp.full((16,), 1.0, jnp.float32)

        plsc.subcore_barrier()

        base = t * CPT

        @pl.when(c == 0)
        def _():
            def body(j, carry):
                pltpu.sync_copy(e_hbm.at[pl.ds((base + j) * CH, CH)], rowbuf)
                pltpu.sync_copy(rowbuf, acc.at[dbuf.at[j]], add=True)
                pltpu.sync_copy(ones, degacc.at[dbuf.at[j]], add=True)
                return carry
            lax.fori_loop(0, CPT, body, 0)

        @pl.when(c == 1)
        def _():
            def body(j, carry):
                pltpu.async_copy(n_hbm.at[sbuf.at[j]], rowbuf, sem).wait()
                pltpu.sync_copy(rowbuf, acc.at[dbuf.at[j]], add=True)
                return carry
            lax.fori_loop(0, CPT, body, 0)

        plsc.subcore_barrier()

        @pl.when(c == 0)
        def _():
            pltpu.sync_copy(acc.at[pl.ds(t * RPT, RPT)],
                            se_hbm.at[pl.ds(t * RPT, RPT)])

            @pl.when(t == 0)
            def _():
                pltpu.sync_copy(degacc, deg_hbm)

        @pl.when(c == 1)
        def _():
            pltpu.sync_copy(acc.at[pl.ds(t * RPT, RPT)],
                            sn_hbm.at[pl.ds(t * RPT, RPT)])

    return k(e, nfeat, src2d, dst2d, zrows, zdeg)


def _seg2(h, src2d, dst2d, zrows):

    @functools.partial(
        pl.kernel,
        out_type=[
            jax.ShapeDtypeStruct((N, D), jnp.float32),
            jax.ShapeDtypeStruct((N, D), jnp.float32),
        ],
        mesh=_sc_mesh(),
        compiler_params=pltpu.CompilerParams(use_tc_tiling_on_sc=False),
        scratch_types=[
            pltpu.VMEM((CPT2, CH), jnp.int32),
            pltpu.VMEM((CPT2, CH), jnp.int32),
            pltpu.VMEM((CH, D), jnp.float32),
            pltpu.VMEM_SHARED((N, D), jnp.float32),
            pltpu.SemaphoreType.DMA,
        ],
    )
    def k(h_hbm, src_hbm, dst_hbm, zr_hbm, sha_hbm, shb_hbm,
          sbuf, dbuf, rowbuf, acc, sem):
        c = lax.axis_index("c")
        t = lax.axis_index("s")

        for r in range(RPT // ZR):
            pltpu.sync_copy(zr_hbm, acc.at[pl.ds(t * RPT + r * ZR, ZR)])

        cb = c * (NCHUNK // 2) + t * CPT2
        pltpu.sync_copy(src_hbm.at[pl.ds(cb, CPT2)], sbuf)
        pltpu.sync_copy(dst_hbm.at[pl.ds(cb, CPT2)], dbuf)

        plsc.subcore_barrier()

        base = cb

        def body(j, carry):
            pltpu.async_copy(h_hbm.at[sbuf.at[j]], rowbuf, sem).wait()
            pltpu.sync_copy(rowbuf, acc.at[dbuf.at[j]], add=True)
            return carry
        lax.fori_loop(0, CPT2, body, 0)

        plsc.subcore_barrier()

        @pl.when(c == 0)
        def _():
            pltpu.sync_copy(acc.at[pl.ds(t * RPT, RPT)],
                            sha_hbm.at[pl.ds(t * RPT, RPT)])

        @pl.when(c == 1)
        def _():
            pltpu.sync_copy(acc.at[pl.ds(t * RPT, RPT)],
                            shb_hbm.at[pl.ds(t * RPT, RPT)])

    return k(h, src2d, dst2d, zrows)


def _predict_edges(peb, p1, p2, srcf, dstf):

    @functools.partial(
        pl.kernel,
        out_type=jax.ShapeDtypeStruct((E,), jnp.float32),
        mesh=_sc_mesh(),
        compiler_params=pltpu.CompilerParams(use_tc_tiling_on_sc=False,
                                             needs_layout_passes=False),
        scratch_types=[
            pltpu.VMEM((N,), jnp.float32),
            pltpu.VMEM((N,), jnp.float32),
            pltpu.VMEM((EPT,), jnp.int32),
            pltpu.VMEM((EPT,), jnp.int32),
            pltpu.VMEM((EPT,), jnp.float32),
            pltpu.VMEM((EPT,), jnp.float32),
        ],
    )
    def k(peb_hbm, p1_hbm, p2_hbm, src_hbm, dst_hbm, out_hbm,
          p1b, p2b, sb, db, pb, ob):
        c = lax.axis_index("c")
        t = lax.axis_index("s")
        w = t * 2 + c
        base = w * EPT

        pltpu.sync_copy(p1_hbm, p1b)
        pltpu.sync_copy(p2_hbm, p2b)
        pltpu.sync_copy(src_hbm.at[pl.ds(base, EPT)], sb)
        pltpu.sync_copy(dst_hbm.at[pl.ds(base, EPT)], db)
        pltpu.sync_copy(peb_hbm.at[pl.ds(base, EPT)], pb)

        def body(i, carry):
            off = pl.multiple_of(i * 16, 16)
            si = sb[pl.ds(off, 16)]
            di = db[pl.ds(off, 16)]
            v = (plsc.load_gather(p1b, [si]) + plsc.load_gather(p2b, [di])
                 + pb[pl.ds(off, 16)])
            ob[pl.ds(off, 16)] = v
            return carry
        lax.fori_loop(0, EPT // 16, body, 0)

        pltpu.sync_copy(ob, out_hbm.at[pl.ds(base, EPT)])

    return k(peb, p1, p2, srcf, dstf)



def kernel(node_features, edge_features, edge_index, Wn, bn, We, be,
           W1s, W1n, b1, W2s, W2n, b2, Wp, bp):
    srcf = edge_index[0]
    dstf = edge_index[1]
    src2d = srcf.reshape(NCHUNK, CH)
    dst2d = dstf.reshape(NCHUNK, CH)

    wp1 = Wp[0:D]
    wp2 = Wp[D:2 * D]
    wp3 = Wp[2 * D:3 * D]
    wp12 = jnp.concatenate([wp1, wp2], axis=1)

    zrows = jnp.zeros((ZR, D), jnp.float32)
    zdeg = jnp.zeros((N,), jnp.float32)

    e, peb = _edge_encode(edge_features, We, be, wp3, bp)
    n = _node_encode(node_features, Wn, bn)

    se, sn, deg = _seg1(e, n, src2d, dst2d, zrows, zdeg)
    h = _layer1(n, sn, se, deg, W1s, W1n, b1)
    sha, shb = _seg2(h, src2d, dst2d, zrows)
    p = _layer2_predict(h, sha, shb, se, deg, W2s, W2n, b2, wp12)

    out = _predict_edges(peb.reshape(E), p[:, 0], p[:, 1], srcf, dstf)
    return out.reshape(E, 1)

# --- scband reference (transcript-rebuilt; emitter-appended) ---
"""Pipeline reference for scband-model-9852654977721 (READ-ONLY COPY).

The authoritative reference and input builder live on the scoring server;
editing this copy changes nothing except your own understanding.
"""

import jax, jax.numpy as jnp
import numpy as np

N = 10000
E = 320000
D = 128      # node_feature_dim
DIN = 128    # gnn_in_features
DH = 128     # gnn_hidden_features
DOUT = 128   # gnn_out_features


def setup_inputs(seed: int = 0) -> dict:
    key = jax.random.key(seed)
    ks = jax.random.split(key, 20)
    s = 0.05
    inp = {}
    inp['node_features'] = jax.random.normal(ks[0], (N, D), dtype=jnp.float32)
    inp['edge_features'] = jax.random.normal(ks[1], (E, D), dtype=jnp.float32)
    inp['edge_index'] = jax.random.randint(ks[2], (2, E), 0, N, dtype=jnp.int32)
    # FeatureReducer params (Linear D -> DIN), one for nodes, one for edges
    inp['Wn'] = jax.random.normal(ks[3], (D, DIN), dtype=jnp.float32) * s
    inp['bn'] = jnp.zeros((DIN,), dtype=jnp.float32)
    inp['We'] = jax.random.normal(ks[4], (D, DIN), dtype=jnp.float32) * s
    inp['be'] = jnp.zeros((DIN,), dtype=jnp.float32)
    # SAGE layer 1 (DIN -> DH)
    inp['W1s'] = jax.random.normal(ks[5], (DIN, DH), dtype=jnp.float32) * s
    inp['W1n'] = jax.random.normal(ks[6], (DIN, DH), dtype=jnp.float32) * s
    inp['b1'] = jnp.zeros((DH,), dtype=jnp.float32)
    # SAGE layer 2 (DH -> DOUT)
    inp['W2s'] = jax.random.normal(ks[7], (DH, DOUT), dtype=jnp.float32) * s
    inp['W2n'] = jax.random.normal(ks[8], (DH, DOUT), dtype=jnp.float32) * s
    inp['b2'] = jnp.zeros((DOUT,), dtype=jnp.float32)
    # EdgeLabelPredictor (concat[h_src, h_dst, e] -> 1)
    inp['Wp'] = jax.random.normal(ks[9], (2 * DOUT + DIN, 1), dtype=jnp.float32) * s
    inp['bp'] = jnp.zeros((1,), dtype=jnp.float32)
    return inp


def _mean_agg(msg, dst, n):
    deg = jax.ops.segment_sum(jnp.ones((msg.shape[0],), dtype=msg.dtype), dst, num_segments=n)
    summed = jax.ops.segment_sum(msg, dst, num_segments=n)
    return summed / jnp.clip(deg, 1.0)[:, None]


def reference(node_features, edge_features, edge_index, Wn, bn, We, be, W1s, W1n, b1, W2s, W2n, b2, Wp, bp):
    src = edge_index[0]
    dst = edge_index[1]
    # feature reducers
    n = jax.nn.relu(node_features @ Wn + bn)
    e = jax.nn.relu(edge_features @ We + be)
    # SAGE layer 1: mean aggregation of (src feature + edge feature)
    msg1 = n[src] + e
    agg1 = _mean_agg(msg1, dst, N)
    h = jax.nn.relu(n @ W1s + agg1 @ W1n + b1)
    # SAGE layer 2
    msg2 = h[src] + e
    agg2 = _mean_agg(msg2, dst, N)
    h2 = h @ W2s + agg2 @ W2n + b2
    # edge label predictor with edge features
    feat = jnp.concatenate([h2[src], h2[dst], e], axis=1)
    out = feat @ Wp + bp
    return out

if __name__ == "__main__":
    import jax
    _d = setup_inputs()
    print(jax.jit(kernel)(*tuple(_d.values())))

</pallas_src>

<mosaic_0001>
#map = affine_map<(d0, d1) -> (0, 0)>
module attributes {stable_mosaic.version = 14 : i64} {
  func.func @k(%arg0: i32, %arg1: i32, %arg2: memref<10000x128xf32, #tpu.memory_space<hbm>>, %arg3: memref<4000x80xi32, #tpu.memory_space<hbm>>, %arg4: memref<4000x80xi32, #tpu.memory_space<hbm>>, %arg5: memref<125x128xf32, #tpu.memory_space<hbm>>, %arg6: memref<10000x128xf32, #tpu.memory_space<hbm>>, %arg7: memref<10000x128xf32, #tpu.memory_space<hbm>>, %arg8: memref<125x80xi32, #tpu.memory_space<vmem>>, %arg9: memref<125x80xi32, #tpu.memory_space<vmem>>, %arg10: memref<80x128xf32, #tpu.memory_space<vmem>>, %arg11: memref<10000x128xf32, #tpu.memory_space<vmem_shared>>, %arg12: memref<!tpu.dma_semaphore, #tpu.memory_space<semaphore_mem>>) attributes {dimension_semantics = [#tpu.dimension_semantics<core_parallel>, #tpu.dimension_semantics<subcore_parallel>], iteration_bounds = array<i64: 2, 16>, scalar_prefetch = 0 : i64, scratch_operands = 5 : i64, tpu.core_type = #tpu.core_type<sc_vector_subcore>, window_params = [{transform_indices = #map}, {transform_indices = #map}, {transform_indices = #map}, {transform_indices = #map}, {transform_indices = #map}, {transform_indices = #map}]} {
    %mul3A = arith.constant 625 : i32
    %mul3A_0 = arith.muli %arg1, %mul3A : i32
    %add3A = arith.constant 0 : i32
    %add3A_1 = arith.addi %mul3A_0, %add3A : i32
    "tpu.region"() ({
      %run_scoped3A = tpu.sem_alloc : memref<!tpu.dma_semaphore, #tpu.memory_space<semaphore_mem>>
      %dma_start3A = arith.constant 0 : i32
      %dma_start3A_36 = tpu.memref_slice %arg11[%add3A_1, %dma_start3A] : memref<10000x128xf32, #tpu.memory_space<vmem_shared>> -> memref<125x128xf32, #tpu.memory_space<vmem_shared>>
      tpu.enqueue_dma source(%arg5 : memref<125x128xf32, #tpu.memory_space<hbm>>) target(%dma_start3A_36 : memref<125x128xf32, #tpu.memory_space<vmem_shared>>) target_semaphore(%run_scoped3A : memref<!tpu.dma_semaphore, #tpu.memory_space<semaphore_mem>>)
      %dma_wait3A = arith.constant 0 : i32
      %dma_wait3A_37 = tpu.memref_slice %arg11[%add3A_1, %dma_wait3A] : memref<10000x128xf32, #tpu.memory_space<vmem_shared>> -> memref<125x128xf32, #tpu.memory_space<vmem_shared>>
      tpu.wait_dma2 semaphore(%run_scoped3A : memref<!tpu.dma_semaphore, #tpu.memory_space<semaphore_mem>>) src(%arg5 : memref<125x128xf32, #tpu.memory_space<hbm>>) dst(%dma_wait3A_37 : memref<125x128xf32, #tpu.memory_space<vmem_shared>>)
      tpu.yield
    }) : () -> ()
    %mul3A_2 = arith.constant 625 : i32
    %mul3A_3 = arith.muli %arg1, %mul3A_2 : i32
    %add3A_4 = arith.constant 125 : i32
    %add3A_5 = arith.addi %mul3A_3, %add3A_4 : i32
    "tpu.region"() ({
      %run_scoped3A = tpu.sem_alloc : memref<!tpu.dma_semaphore, #tpu.memory_space<semaphore_mem>>
      %dma_start3A = arith.constant 0 : i32
      %dma_start3A_36 = tpu.memref_slice %arg11[%add3A_5, %dma_start3A] : memref<10000x128xf32, #tpu.memory_space<vmem_shared>> -> memref<125x128xf32, #tpu.memory_space<vmem_shared>>
      tpu.enqueue_dma source(%arg5 : memref<125x128xf32, #tpu.memory_space<hbm>>) target(%dma_start3A_36 : memref<125x128xf32, #tpu.memory_space<vmem_shared>>) target_semaphore(%run_scoped3A : memref<!tpu.dma_semaphore, #tpu.memory_space<semaphore_mem>>)
      %dma_wait3A = arith.constant 0 : i32
      %dma_wait3A_37 = tpu.memref_slice %arg11[%add3A_5, %dma_wait3A] : memref<10000x128xf32, #tpu.memory_space<vmem_shared>> -> memref<125x128xf32, #tpu.memory_space<vmem_shared>>
      tpu.wait_dma2 semaphore(%run_scoped3A : memref<!tpu.dma_semaphore, #tpu.memory_space<semaphore_mem>>) src(%arg5 : memref<125x128xf32, #tpu.memory_space<hbm>>) dst(%dma_wait3A_37 : memref<125x128xf32, #tpu.memory_space<vmem_shared>>)
      tpu.yield
    }) : () -> ()
    %mul3A_6 = arith.constant 625 : i32
    %mul3A_7 = arith.muli %arg1, %mul3A_6 : i32
    %add3A_8 = arith.constant 250 : i32
    %add3A_9 = arith.addi %mul3A_7, %add3A_8 : i32
    "tpu.region"() ({
      %run_scoped3A = tpu.sem_alloc : memref<!tpu.dma_semaphore, #tpu.memory_space<semaphore_mem>>
      %dma_start3A = arith.constant 0 : i32
      %dma_start3A_36 = tpu.memref_slice %arg11[%add3A_9, %dma_start3A] : memref<10000x128xf32, #tpu.memory_space<vmem_shared>> -> memref<125x128xf32, #tpu.memory_space<vmem_shared>>
      tpu.enqueue_dma source(%arg5 : memref<125x128xf32, #tpu.memory_space<hbm>>) target(%dma_start3A_36 : memref<125x128xf32, #tpu.memory_space<vmem_shared>>) target_semaphore(%run_scoped3A : memref<!tpu.dma_semaphore, #tpu.memory_space<semaphore_mem>>)
      %dma_wait3A = arith.constant 0 : i32
      %dma_wait3A_37 = tpu.memref_slice %arg11[%add3A_9, %dma_wait3A] : memref<10000x128xf32, #tpu.memory_space<vmem_shared>> -> memref<125x128xf32, #tpu.memory_space<vmem_shared>>
      tpu.wait_dma2 semaphore(%run_scoped3A : memref<!tpu.dma_semaphore, #tpu.memory_space<semaphore_mem>>) src(%arg5 : memref<125x128xf32, #tpu.memory_space<hbm>>) dst(%dma_wait3A_37 : memref<125x128xf32, #tpu.memory_space<vmem_shared>>)
      tpu.yield
    }) : () -> ()
    %mul3A_10 = arith.constant 625 : i32
    %mul3A_11 = arith.muli %arg1, %mul3A_10 : i32
    %add3A_12 = arith.constant 375 : i32
    %add3A_13 = arith.addi %mul3A_11, %add3A_12 : i32
    "tpu.region"() ({
      %run_scoped3A = tpu.sem_alloc : memref<!tpu.dma_semaphore, #tpu.memory_space<semaphore_mem>>
      %dma_start3A = arith.constant 0 : i32
      %dma_start3A_36 = tpu.memref_slice %arg11[%add3A_13, %dma_start3A] : memref<10000x128xf32, #tpu.memory_space<vmem_shared>> -> memref<125x128xf32, #tpu.memory_space<vmem_shared>>
      tpu.enqueue_dma source(%arg5 : memref<125x128xf32, #tpu.memory_space<hbm>>) target(%dma_start3A_36 : memref<125x128xf32, #tpu.memory_space<vmem_shared>>) target_semaphore(%run_scoped3A : memref<!tpu.dma_semaphore, #tpu.memory_space<semaphore_mem>>)
      %dma_wait3A = arith.constant 0 : i32
      %dma_wait3A_37 = tpu.memref_slice %arg11[%add3A_13, %dma_wait3A] : memref<10000x128xf32, #tpu.memory_space<vmem_shared>> -> memref<125x128xf32, #tpu.memory_space<vmem_shared>>
      tpu.wait_dma2 semaphore(%run_scoped3A : memref<!tpu.dma_semaphore, #tpu.memory_space<semaphore_mem>>) src(%arg5 : memref<125x128xf32, #tpu.memory_space<hbm>>) dst(%dma_wait3A_37 : memref<125x128xf32, #tpu.memory_space<vmem_shared>>)
      tpu.yield
    }) : () -> ()
    %mul3A_14 = arith.constant 625 : i32
    %mul3A_15 = arith.muli %arg1, %mul3A_14 : i32
    %add3A_16 = arith.constant 500 : i32
    %add3A_17 = arith.addi %mul3A_15, %add3A_16 : i32
    "tpu.region"() ({
      %run_scoped3A = tpu.sem_alloc : memref<!tpu.dma_semaphore, #tpu.memory_space<semaphore_mem>>
      %dma_start3A = arith.constant 0 : i32
      %dma_start3A_36 = tpu.memref_slice %arg11[%add3A_17, %dma_start3A] : memref<10000x128xf32, #tpu.memory_space<vmem_shared>> -> memref<125x128xf32, #tpu.memory_space<vmem_shared>>
      tpu.enqueue_dma source(%arg5 : memref<125x128xf32, #tpu.memory_space<hbm>>) target(%dma_start3A_36 : memref<125x128xf32, #tpu.memory_space<vmem_shared>>) target_semaphore(%run_scoped3A : memref<!tpu.dma_semaphore, #tpu.memory_space<semaphore_mem>>)
      %dma_wait3A = arith.constant 0 : i32
      %dma_wait3A_37 = tpu.memref_slice %arg11[%add3A_17, %dma_wait3A] : memref<10000x128xf32, #tpu.memory_space<vmem_shared>> -> memref<125x128xf32, #tpu.memory_space<vmem_shared>>
      tpu.wait_dma2 semaphore(%run_scoped3A : memref<!tpu.dma_semaphore, #tpu.memory_space<semaphore_mem>>) src(%arg5 : memref<125x128xf32, #tpu.memory_space<hbm>>) dst(%dma_wait3A_37 : memref<125x128xf32, #tpu.memory_space<vmem_shared>>)
      tpu.yield
    }) : () -> ()
    %mul3A_18 = arith.constant 2000 : i32
    %mul3A_19 = arith.muli %arg0, %mul3A_18 : i32
    %mul3A_20 = arith.constant 125 : i32
    %mul3A_21 = arith.muli %arg1, %mul3A_20 : i32
    %add3A_22 = arith.addi %mul3A_19, %mul3A_21 : i32
    "tpu.region"() ({
      %run_scoped3A = tpu.sem_alloc : memref<!tpu.dma_semaphore, #tpu.memory_space<semaphore_mem>>
      %dma_start3A = arith.constant 0 : i32
      %dma_start3A_36 = tpu.memref_slice %arg3[%add3A_22, %dma_start3A] : memref<4000x80xi32, #tpu.memory_space<hbm>> -> memref<125x80xi32, #tpu.memory_space<hbm>>
      %dma_start3A_37 = arith.constant 0 : i32
      %dma_start3A_38 = tpu.memref_slice %arg3[%add3A_22, %dma_start3A_37] : memref<4000x80xi32, #tpu.memory_space<hbm>> -> memref<125x80xi32, #tpu.memory_space<hbm>>
      tpu.enqueue_dma source(%dma_start3A_38 : memref<125x80xi32, #tpu.memory_space<hbm>>) target(%arg8 : memref<125x80xi32, #tpu.memory_space<vmem>>) target_semaphore(%run_scoped3A : memref<!tpu.dma_semaphore, #tpu.memory_space<semaphore_mem>>)
      %dma_wait3A = arith.constant 0 : i32
      %dma_wait3A_39 = tpu.memref_slice %arg3[%add3A_22, %dma_wait3A] : memref<4000x80xi32, #tpu.memory_space<hbm>> -> memref<125x80xi32, #tpu.memory_space<hbm>>
      %dma_wait3A_40 = arith.constant 0 : i32
      %dma_wait3A_41 = tpu.memref_slice %arg3[%add3A_22, %dma_wait3A_40] : memref<4000x80xi32, #tpu.memory_space<hbm>> -> memref<125x80xi32, #tpu.memory_space<hbm>>
      tpu.wait_dma2 semaphore(%run_scoped3A : memref<!tpu.dma_semaphore, #tpu.memory_space<semaphore_mem>>) src(%dma_wait3A_41 : memref<125x80xi32, #tpu.memory_space<hbm>>) dst(%arg8 : memref<125x80xi32, #tpu.memory_space<vmem>>)
      tpu.yield
    }) : () -> ()
    "tpu.region"() ({
      %run_scoped3A = tpu.sem_alloc : memref<!tpu.dma_semaphore, #tpu.memory_space<semaphore_mem>>
      %dma_start3A = arith.constant 0 : i32
      %dma_start3A_36 = tpu.memref_slice %arg4[%add3A_22, %dma_start3A] : memref<4000x80xi32, #tpu.memory_space<hbm>> -> memref<125x80xi32, #tpu.memory_space<hbm>>
      %dma_start3A_37 = arith.constant 0 : i32
      %dma_start3A_38 = tpu.memref_slice %arg4[%add3A_22, %dma_start3A_37] : memref<4000x80xi32, #tpu.memory_space<hbm>> -> memref<125x80xi32, #tpu.memory_space<hbm>>
      tpu.enqueue_dma source(%dma_start3A_38 : memref<125x80xi32, #tpu.memory_space<hbm>>) target(%arg9 : memref<125x80xi32, #tpu.memory_space<vmem>>) target_semaphore(%run_scoped3A : memref<!tpu.dma_semaphore, #tpu.memory_space<semaphore_mem>>)
      %dma_wait3A = arith.constant 0 : i32
      %dma_wait3A_39 = tpu.memref_slice %arg4[%add3A_22, %dma_wait3A] : memref<4000x80xi32, #tpu.memory_space<hbm>> -> memref<125x80xi32, #tpu.memory_space<hbm>>
      %dma_wait3A_40 = arith.constant 0 : i32
      %dma_wait3A_41 = tpu.memref_slice %arg4[%add3A_22, %dma_wait3A_40] : memref<4000x80xi32, #tpu.memory_space<hbm>> -> memref<125x80xi32, #tpu.memory_space<hbm>>
      tpu.wait_dma2 semaphore(%run_scoped3A : memref<!tpu.dma_semaphore, #tpu.memory_space<semaphore_mem>>) src(%dma_wait3A_41 : memref<125x80xi32, #tpu.memory_space<hbm>>) dst(%arg9 : memref<125x80xi32, #tpu.memory_space<vmem>>)
      tpu.yield
    }) : () -> ()
    %barrier3A = arith.constant 0 : index
    tpu.barrier barrier_id(%barrier3A)
    %scan3A = arith.constant 0 : i32
    %scan3A_23 = arith.constant 0 : i32
    %scan3A_24 = arith.constant 125 : i32
    %scan3A_25 = arith.addi %scan3A_23, %scan3A_24 : i32
    %scan3A_26 = arith.constant 1 : i32
    scf.for %scan3A_36 = %scan3A_23 to %scan3A_25 step %scan3A_26  : i32 {
      %dma_start3A = arith.constant 0 : i32
      %dma_start3A_37 = tpu.memref_slice %arg8[%scan3A_36, %dma_start3A] : memref<125x80xi32, #tpu.memory_space<vmem>> -> memref<1x80xi32, #tpu.memory_space<vmem>>
      %dma_start3A_38 = tpu.memref_squeeze %dma_start3A_37 : memref<1x80xi32, #tpu.memory_space<vmem>> -> memref<80xi32, #tpu.memory_space<vmem>>
      %dma_start3A_39 = arith.constant 0 : i32
      %dma_start3A_40 = arith.constant 0 : i32
      %dma_start3A_41 = tpu.memref_slice %arg2[%dma_start3A_39, %dma_start3A_40] : memref<10000x128xf32, #tpu.memory_space<hbm>> -> memref<10000x128xf32, #tpu.memory_space<hbm>>
      tpu.enqueue_indirect_dma source(%dma_start3A_41 : memref<10000x128xf32, #tpu.memory_space<hbm>>) target(%arg10 : memref<80x128xf32, #tpu.memory_space<vmem>>) offsets(%dma_start3A_38 : memref<80xi32, #tpu.memory_space<vmem>>) semaphore(%arg12 : memref<!tpu.dma_semaphore, #tpu.memory_space<semaphore_mem>>)
      %dma_wait3A = arith.constant 0 : i32
      %dma_wait3A_42 = tpu.memref_slice %arg8[%scan3A_36, %dma_wait3A] : memref<125x80xi32, #tpu.memory_space<vmem>> -> memref<1x80xi32, #tpu.memory_space<vmem>>
      %dma_wait3A_43 = tpu.memref_squeeze %dma_wait3A_42 : memref<1x80xi32, #tpu.memory_space<vmem>> -> memref<80xi32, #tpu.memory_space<vmem>>
      %dma_wait3A_44 = arith.constant 0 : i32
      %dma_wait3A_45 = arith.constant 0 : i32
      %dma_wait3A_46 = tpu.memref_slice %arg2[%dma_wait3A_44, %dma_wait3A_45] : memref<10000x128xf32, #tpu.memory_space<hbm>> -> memref<10000x128xf32, #tpu.memory_space<hbm>>
      tpu.wait_indirect_dma semaphore(%arg12 : memref<!tpu.dma_semaphore, #tpu.memory_space<semaphore_mem>>) src(%dma_wait3A_46 : memref<10000x128xf32, #tpu.memory_space<hbm>>) dst(%arg10 : memref<80x128xf32, #tpu.memory_space<vmem>>)
      "tpu.region"() ({
        %run_scoped3A = tpu.sem_alloc : memref<!tpu.dma_semaphore, #tpu.memory_space<semaphore_mem>>
        %dma_start3A_47 = arith.constant 0 : i32
        %dma_start3A_48 = tpu.memref_slice %arg9[%scan3A_36, %dma_start3A_47] : memref<125x80xi32, #tpu.memory_space<vmem>> -> memref<1x80xi32, #tpu.memory_space<vmem>>
        %dma_start3A_49 = tpu.memref_squeeze %dma_start3A_48 : memref<1x80xi32, #tpu.memory_space<vmem>> -> memref<80xi32, #tpu.memory_space<vmem>>
        %dma_start3A_50 = arith.constant 0 : i32
        %dma_start3A_51 = arith.constant 0 : i32
        %dma_start3A_52 = tpu.memref_slice %arg11[%dma_start3A_50, %dma_start3A_51] : memref<10000x128xf32, #tpu.memory_space<vmem_shared>> -> memref<10000x128xf32, #tpu.memory_space<vmem_shared>>
        tpu.enqueue_indirect_dma source(%arg10 : memref<80x128xf32, #tpu.memory_space<vmem>>) target(%dma_start3A_52 : memref<10000x128xf32, #tpu.memory_space<vmem_shared>>) offsets(%dma_start3A_49 : memref<80xi32, #tpu.memory_space<vmem>>) semaphore(%run_scoped3A : memref<!tpu.dma_semaphore, #tpu.memory_space<semaphore_mem>>) {add = true}
        %dma_wait3A_53 = arith.constant 0 : i32
        %dma_wait3A_54 = tpu.memref_slice %arg9[%scan3A_36, %dma_wait3A_53] : memref<125x80xi32, #tpu.memory_space<vmem>> -> memref<1x80xi32, #tpu.memory_space<vmem>>
        %dma_wait3A_55 = tpu.memref_squeeze %dma_wait3A_54 : memref<1x80xi32, #tpu.memory_space<vmem>> -> memref<80xi32, #tpu.memory_space<vmem>>
        %dma_wait3A_56 = arith.constant 0 : i32
        %dma_wait3A_57 = arith.constant 0 : i32
        %dma_wait3A_58 = tpu.memref_slice %arg11[%dma_wait3A_56, %dma_wait3A_57] : memref<10000x128xf32, #tpu.memory_space<vmem_shared>> -> memref<10000x128xf32, #tpu.memory_space<vmem_shared>>
        tpu.wait_indirect_dma semaphore(%run_scoped3A : memref<!tpu.dma_semaphore, #tpu.memory_space<semaphore_mem>>) src(%arg10 : memref<80x128xf32, #tpu.memory_space<vmem>>) dst(%dma_wait3A_58 : memref<10000x128xf32, #tpu.memory_space<vmem_shared>>)
        tpu.yield
      }) : () -> ()
    }
    %scan3A_27 = arith.constant 125 : i32
    %barrier3A_28 = arith.constant 0 : index
    tpu.barrier barrier_id(%barrier3A_28)
    %eq3A = arith.constant 0 : i32
    %eq3A_29 = arith.cmpi eq, %arg0, %eq3A : i32
    %convert_element_type3A = arith.extui %eq3A_29 : i1 to i32
    %cond3A = arith.constant 0 : i32
    %cond3A_30 = arith.cmpi ne, %convert_element_type3A, %cond3A : i32
    scf.if %cond3A_30 {
      %mul3A_36 = arith.constant 625 : i32
      %mul3A_37 = arith.muli %arg1, %mul3A_36 : i32
      %mul3A_38 = arith.constant 625 : i32
      %mul3A_39 = arith.muli %arg1, %mul3A_38 : i32
      "tpu.region"() ({
        %run_scoped3A = tpu.sem_alloc : memref<!tpu.dma_semaphore, #tpu.memory_space<semaphore_mem>>
        %dma_start3A = arith.constant 0 : i32
        %dma_start3A_40 = tpu.memref_slice %arg6[%mul3A_39, %dma_start3A] : memref<10000x128xf32, #tpu.memory_space<hbm>> -> memref<625x128xf32, #tpu.memory_space<hbm>>
        %dma_start3A_41 = arith.constant 0 : i32
        %dma_start3A_42 = tpu.memref_slice %arg11[%mul3A_37, %dma_start3A_41] : memref<10000x128xf32, #tpu.memory_space<vmem_shared>> -> memref<625x128xf32, #tpu.memory_space<vmem_shared>>
        tpu.enqueue_dma source(%dma_start3A_42 : memref<625x128xf32, #tpu.memory_space<vmem_shared>>) target(%dma_start3A_40 : memref<625x128xf32, #tpu.memory_space<hbm>>) target_semaphore(%run_scoped3A : memref<!tpu.dma_semaphore, #tpu.memory_space<semaphore_mem>>)
        %dma_wait3A = arith.constant 0 : i32
        %dma_wait3A_43 = tpu.memref_slice %arg6[%mul3A_39, %dma_wait3A] : memref<10000x128xf32, #tpu.memory_space<hbm>> -> memref<625x128xf32, #tpu.memory_space<hbm>>
        %dma_wait3A_44 = arith.constant 0 : i32
        %dma_wait3A_45 = tpu.memref_slice %arg11[%mul3A_37, %dma_wait3A_44] : memref<10000x128xf32, #tpu.memory_space<vmem_shared>> -> memref<625x128xf32, #tpu.memory_space<vmem_shared>>
        tpu.wait_dma2 semaphore(%run_scoped3A : memref<!tpu.dma_semaphore, #tpu.memory_space<semaphore_mem>>) src(%dma_wait3A_45 : memref<625x128xf32, #tpu.memory_space<vmem_shared>>) dst(%dma_wait3A_43 : memref<625x128xf32, #tpu.memory_space<hbm>>)
        tpu.yield
      }) : () -> ()
    } else {
    }
    %eq3A_31 = arith.constant 1 : i32
    %eq3A_32 = arith.cmpi eq, %arg0, %eq3A_31 : i32
    %convert_element_type3A_33 = arith.extui %eq3A_32 : i1 to i32
    %cond3A_34 = arith.constant 0 : i32
    %cond3A_35 = arith.cmpi ne, %convert_element_type3A_33, %cond3A_34 : i32
    scf.if %cond3A_35 {
      %mul3A_36 = arith.constant 625 : i32
      %mul3A_37 = arith.muli %arg1, %mul3A_36 : i32
      %mul3A_38 = arith.constant 625 : i32
      %mul3A_39 = arith.muli %arg1, %mul3A_38 : i32
      "tpu.region"() ({
        %run_scoped3A = tpu.sem_alloc : memref<!tpu.dma_semaphore, #tpu.memory_space<semaphore_mem>>
        %dma_start3A = arith.constant 0 : i32
        %dma_start3A_40 = tpu.memref_slice %arg7[%mul3A_39, %dma_start3A] : memref<10000x128xf32, #tpu.memory_space<hbm>> -> memref<625x128xf32, #tpu.memory_space<hbm>>
        %dma_start3A_41 = arith.constant 0 : i32
        %dma_start3A_42 = tpu.memref_slice %arg11[%mul3A_37, %dma_start3A_41] : memref<10000x128xf32, #tpu.memory_space<vmem_shared>> -> memref<625x128xf32, #tpu.memory_space<vmem_shared>>
        tpu.enqueue_dma source(%dma_start3A_42 : memref<625x128xf32, #tpu.memory_space<vmem_shared>>) target(%dma_start3A_40 : memref<625x128xf32, #tpu.memory_space<hbm>>) target_semaphore(%run_scoped3A : memref<!tpu.dma_semaphore, #tpu.memory_space<semaphore_mem>>)
        %dma_wait3A = arith.constant 0 : i32
        %dma_wait3A_43 = tpu.memref_slice %arg7[%mul3A_39, %dma_wait3A] : memref<10000x128xf32, #tpu.memory_space<hbm>> -> memref<625x128xf32, #tpu.memory_space<hbm>>
        %dma_wait3A_44 = arith.constant 0 : i32
        %dma_wait3A_45 = tpu.memref_slice %arg11[%mul3A_37, %dma_wait3A_44] : memref<10000x128xf32, #tpu.memory_space<vmem_shared>> -> memref<625x128xf32, #tpu.memory_space<vmem_shared>>
        tpu.wait_dma2 semaphore(%run_scoped3A : memref<!tpu.dma_semaphore, #tpu.memory_space<semaphore_mem>>) src(%dma_wait3A_45 : memref<625x128xf32, #tpu.memory_space<vmem_shared>>) dst(%dma_wait3A_43 : memref<625x128xf32, #tpu.memory_space<hbm>>)
        tpu.yield
      }) : () -> ()
    } else {
    }
    return
  }
}

#map = affine_map<(d0, d1) -> (0)>
module attributes {stable_mosaic.version = 14 : i64} {
  func.func @k(%arg0: i32, %arg1: i32, %arg2: memref<320000xf32, #tpu.memory_space<hbm>>, %arg3: memref<10000xf32, #tpu.memory_space<hbm>>, %arg4: memref<10000xf32, #tpu.memory_space<hbm>>, %arg5: memref<320000xi32, #tpu.memory_space<hbm>>, %arg6: memref<320000xi32, #tpu.memory_space<hbm>>, %arg7: memref<320000xf32, #tpu.memory_space<hbm>>, %arg8: memref<10000xf32, #tpu.memory_space<vmem>>, %arg9: memref<10000xf32, #tpu.memory_space<vmem>>, %arg10: memref<10000xi32, #tpu.memory_space<vmem>>, %arg11: memref<10000xi32, #tpu.memory_space<vmem>>, %arg12: memref<10000xf32, #tpu.memory_space<vmem>>, %arg13: memref<10000xf32, #tpu.memory_space<vmem>>) attributes {dimension_semantics = [#tpu.dimension_semantics<core_parallel>, #tpu.dimension_semantics<subcore_parallel>], iteration_bounds = array<i64: 2, 16>, scalar_prefetch = 0 : i64, scratch_operands = 6 : i64, tpu.core_type = #tpu.core_type<sc_vector_subcore>, window_params = [{transform_indices = #map}, {transform_indices = #map}, {transform_indices = #map}, {transform_indices = #map}, {transform_indices = #map}, {transform_indices = #map}]} {
    %mul3A = arith.constant 2 : i32
    %mul3A_0 = arith.muli %arg1, %mul3A : i32
    %add3A = arith.addi %mul3A_0, %arg0 : i32
    %mul3A_1 = arith.constant 10000 : i32
    %mul3A_2 = arith.muli %add3A, %mul3A_1 : i32
    "tpu.region"() ({
      %run_scoped3A = tpu.sem_alloc : memref<!tpu.dma_semaphore, #tpu.memory_space<semaphore_mem>>
      tpu.enqueue_dma source(%arg3 : memref<10000xf32, #tpu.memory_space<hbm>>) target(%arg8 : memref<10000xf32, #tpu.memory_space<vmem>>) target_semaphore(%run_scoped3A : memref<!tpu.dma_semaphore, #tpu.memory_space<semaphore_mem>>)
      tpu.wait_dma2 semaphore(%run_scoped3A : memref<!tpu.dma_semaphore, #tpu.memory_space<semaphore_mem>>) src(%arg3 : memref<10000xf32, #tpu.memory_space<hbm>>) dst(%arg8 : memref<10000xf32, #tpu.memory_space<vmem>>)
      tpu.yield
    }) : () -> ()
    "tpu.region"() ({
      %run_scoped3A = tpu.sem_alloc : memref<!tpu.dma_semaphore, #tpu.memory_space<semaphore_mem>>
      tpu.enqueue_dma source(%arg4 : memref<10000xf32, #tpu.memory_space<hbm>>) target(%arg9 : memref<10000xf32, #tpu.memory_space<vmem>>) target_semaphore(%run_scoped3A : memref<!tpu.dma_semaphore, #tpu.memory_space<semaphore_mem>>)
      tpu.wait_dma2 semaphore(%run_scoped3A : memref<!tpu.dma_semaphore, #tpu.memory_space<semaphore_mem>>) src(%arg4 : memref<10000xf32, #tpu.memory_space<hbm>>) dst(%arg9 : memref<10000xf32, #tpu.memory_space<vmem>>)
      tpu.yield
    }) : () -> ()
    "tpu.region"() ({
      %run_scoped3A = tpu.sem_alloc : memref<!tpu.dma_semaphore, #tpu.memory_space<semaphore_mem>>
      %dma_start3A = tpu.memref_slice %arg5[%mul3A_2] : memref<320000xi32, #tpu.memory_space<hbm>> -> memref<10000xi32, #tpu.memory_space<hbm>>
      %dma_start3A_8 = tpu.memref_slice %arg5[%mul3A_2] : memref<320000xi32, #tpu.memory_space<hbm>> -> memref<10000xi32, #tpu.memory_space<hbm>>
      tpu.enqueue_dma source(%dma_start3A_8 : memref<10000xi32, #tpu.memory_space<hbm>>) target(%arg10 : memref<10000xi32, #tpu.memory_space<vmem>>) target_semaphore(%run_scoped3A : memref<!tpu.dma_semaphore, #tpu.memory_space<semaphore_mem>>)
      %dma_wait3A = tpu.memref_slice %arg5[%mul3A_2] : memref<320000xi32, #tpu.memory_space<hbm>> -> memref<10000xi32, #tpu.memory_space<hbm>>
      %dma_wait3A_9 = tpu.memref_slice %arg5[%mul3A_2] : memref<320000xi32, #tpu.memory_space<hbm>> -> memref<10000xi32, #tpu.memory_space<hbm>>
      tpu.wait_dma2 semaphore(%run_scoped3A : memref<!tpu.dma_semaphore, #tpu.memory_space<semaphore_mem>>) src(%dma_wait3A_9 : memref<10000xi32, #tpu.memory_space<hbm>>) dst(%arg10 : memref<10000xi32, #tpu.memory_space<vmem>>)
      tpu.yield
    }) : () -> ()
    "tpu.region"() ({
      %run_scoped3A = tpu.sem_alloc : memref<!tpu.dma_semaphore, #tpu.memory_space<semaphore_mem>>
      %dma_start3A = tpu.memref_slice %arg6[%mul3A_2] : memref<320000xi32, #tpu.memory_space<hbm>> -> memref<10000xi32, #tpu.memory_space<hbm>>
      %dma_start3A_8 = tpu.memref_slice %arg6[%mul3A_2] : memref<320000xi32, #tpu.memory_space<hbm>> -> memref<10000xi32, #tpu.memory_space<hbm>>
      tpu.enqueue_dma source(%dma_start3A_8 : memref<10000xi32, #tpu.memory_space<hbm>>) target(%arg11 : memref<10000xi32, #tpu.memory_space<vmem>>) target_semaphore(%run_scoped3A : memref<!tpu.dma_semaphore, #tpu.memory_space<semaphore_mem>>)
      %dma_wait3A = tpu.memref_slice %arg6[%mul3A_2] : memref<320000xi32, #tpu.memory_space<hbm>> -> memref<10000xi32, #tpu.memory_space<hbm>>
      %dma_wait3A_9 = tpu.memref_slice %arg6[%mul3A_2] : memref<320000xi32, #tpu.memory_space<hbm>> -> memref<10000xi32, #tpu.memory_space<hbm>>
      tpu.wait_dma2 semaphore(%run_scoped3A : memref<!tpu.dma_semaphore, #tpu.memory_space<semaphore_mem>>) src(%dma_wait3A_9 : memref<10000xi32, #tpu.memory_space<hbm>>) dst(%arg11 : memref<10000xi32, #tpu.memory_space<vmem>>)
      tpu.yield
    }) : () -> ()
    "tpu.region"() ({
      %run_scoped3A = tpu.sem_alloc : memref<!tpu.dma_semaphore, #tpu.memory_space<semaphore_mem>>
      %dma_start3A = tpu.memref_slice %arg2[%mul3A_2] : memref<320000xf32, #tpu.memory_space<hbm>> -> memref<10000xf32, #tpu.memory_space<hbm>>
      %dma_start3A_8 = tpu.memref_slice %arg2[%mul3A_2] : memref<320000xf32, #tpu.memory_space<hbm>> -> memref<10000xf32, #tpu.memory_space<hbm>>
      tpu.enqueue_dma source(%dma_start3A_8 : memref<10000xf32, #tpu.memory_space<hbm>>) target(%arg12 : memref<10000xf32, #tpu.memory_space<vmem>>) target_semaphore(%run_scoped3A : memref<!tpu.dma_semaphore, #tpu.memory_space<semaphore_mem>>)
      %dma_wait3A = tpu.memref_slice %arg2[%mul3A_2] : memref<320000xf32, #tpu.memory_space<hbm>> -> memref<10000xf32, #tpu.memory_space<hbm>>
      %dma_wait3A_9 = tpu.memref_slice %arg2[%mul3A_2] : memref<320000xf32, #tpu.memory_space<hbm>> -> memref<10000xf32, #tpu.memory_space<hbm>>
      tpu.wait_dma2 semaphore(%run_scoped3A : memref<!tpu.dma_semaphore, #tpu.memory_space<semaphore_mem>>) src(%dma_wait3A_9 : memref<10000xf32, #tpu.memory_space<hbm>>) dst(%arg12 : memref<10000xf32, #tpu.memory_space<vmem>>)
      tpu.yield
    }) : () -> ()
    %scan3A = arith.constant 0 : i32
    %scan3A_3 = arith.constant 0 : i32
    %scan3A_4 = arith.constant 625 : i32
    %scan3A_5 = arith.addi %scan3A_3, %scan3A_4 : i32
    %scan3A_6 = arith.constant 1 : i32
    scf.for %scan3A_8 = %scan3A_3 to %scan3A_5 step %scan3A_6  : i32 {
      %mul3A_9 = arith.constant 16 : i32
      %mul3A_10 = arith.muli %scan3A_8, %mul3A_9 : i32
      %multiple_of3A = tpu.assume_multiple %mul3A_10, 16 : i32
      %get3A = arith.index_cast %multiple_of3A : i32 to index
      %get3A_11 = tpu.vector_load %arg10[%get3A] {strides = array<i32>} : memref<10000xi32, #tpu.memory_space<vmem>>, vector<16xi32>,
      %get3A_12 = arith.index_cast %multiple_of3A : i32 to index
      %get3A_13 = tpu.vector_load %arg11[%get3A_12] {strides = array<i32>} : memref<10000xi32, #tpu.memory_space<vmem>>, vector<16xi32>,
      %gather3A = tpu.vector_load_idx %arg8[%get3A_11] : memref<10000xf32, #tpu.memory_space<vmem>>[vector<16xi32>], vector<16xf32>,
      %gather3A_14 = tpu.vector_load_idx %arg9[%get3A_13] : memref<10000xf32, #tpu.memory_space<vmem>>[vector<16xi32>], vector<16xf32>,
      %add3A_15 = arith.addf %gather3A, %gather3A_14 : vector<16xf32>
      %get3A_16 = arith.index_cast %multiple_of3A : i32 to index
      %get3A_17 = tpu.vector_load %arg12[%get3A_16] {strides = array<i32>} : memref<10000xf32, #tpu.memory_space<vmem>>, vector<16xf32>,
      %add3A_18 = arith.addf %add3A_15, %get3A_17 : vector<16xf32>
      %swap3A = arith.index_cast %multiple_of3A : i32 to index
      %swap3A_19 = tpu.vector_load %arg13[%swap3A] {strides = array<i32>} : memref<10000xf32, #tpu.memory_space<vmem>>, vector<16xf32>,
      tpu.vector_store %arg13[%swap3A], %add3A_18 {strides = array<i32>} : memref<10000xf32, #tpu.memory_space<vmem>>, vector<16xf32>,
    }
    %scan3A_7 = arith.constant 625 : i32
    "tpu.region"() ({
      %run_scoped3A = tpu.sem_alloc : memref<!tpu.dma_semaphore, #tpu.memory_space<semaphore_mem>>
      %dma_start3A = tpu.memref_slice %arg7[%mul3A_2] : memref<320000xf32, #tpu.memory_space<hbm>> -> memref<10000xf32, #tpu.memory_space<hbm>>
      %dma_start3A_8 = tpu.memref_slice %arg7[%mul3A_2] : memref<320000xf32, #tpu.memory_space<hbm>> -> memref<10000xf32, #tpu.memory_space<hbm>>
      tpu.enqueue_dma source(%arg13 : memref<10000xf32, #tpu.memory_space<vmem>>) target(%dma_start3A_8 : memref<10000xf32, #tpu.memory_space<hbm>>) target_semaphore(%run_scoped3A : memref<!tpu.dma_semaphore, #tpu.memory_space<semaphore_mem>>)
      %dma_wait3A = tpu.memref_slice %arg7[%mul3A_2] : memref<320000xf32, #tpu.memory_space<hbm>> -> memref<10000xf32, #tpu.memory_space<hbm>>
      %dma_wait3A_9 = tpu.memref_slice %arg7[%mul3A_2] : memref<320000xf32, #tpu.memory_space<hbm>> -> memref<10000xf32, #tpu.memory_space<hbm>>
      tpu.wait_dma2 semaphore(%run_scoped3A : memref<!tpu.dma_semaphore, #tpu.memory_space<semaphore_mem>>) src(%arg13 : memref<10000xf32, #tpu.memory_space<vmem>>) dst(%dma_wait3A_9 : memref<10000xf32, #tpu.memory_space<hbm>>)
      tpu.yield
    }) : () -> ()
    return
  }
}

#map = affine_map<(d0, d1) -> (0, 0)>
#map1 = affine_map<(d0, d1) -> (0)>
module attributes {stable_mosaic.version = 14 : i64} {
  func.func @k(%arg0: i32, %arg1: i32, %arg2: memref<320000x128xf32, #tpu.memory_space<hbm>>, %arg3: memref<10000x128xf32, #tpu.memory_space<hbm>>, %arg4: memref<4000x80xi32, #tpu.memory_space<hbm>>, %arg5: memref<4000x80xi32, #tpu.memory_space<hbm>>, %arg6: memref<125x128xf32, #tpu.memory_space<hbm>>, %arg7: memref<10000xf32, #tpu.memory_space<hbm>>, %arg8: memref<10000x128xf32, #tpu.memory_space<hbm>>, %arg9: memref<10000x128xf32, #tpu.memory_space<hbm>>, %arg10: memref<10000xf32, #tpu.memory_space<hbm>>, %arg11: memref<250x80xi32, #tpu.memory_space<vmem>>, %arg12: memref<250x80xi32, #tpu.memory_space<vmem>>, %arg13: memref<80x128xf32, #tpu.memory_space<vmem>>, %arg14: memref<80xf32, #tpu.memory_space<vmem>>, %arg15: memref<10000x128xf32, #tpu.memory_space<vmem_shared>>, %arg16: memref<10000xf32, #tpu.memory_space<vmem_shared>>, %arg17: memref<!tpu.dma_semaphore, #tpu.memory_space<semaphore_mem>>) attributes {dimension_semantics = [#tpu.dimension_semantics<core_parallel>, #tpu.dimension_semantics<subcore_parallel>], iteration_bounds = array<i64: 2, 16>, scalar_prefetch = 0 : i64, scratch_operands = 7 : i64, tpu.core_type = #tpu.core_type<sc_vector_subcore>, window_params = [{transform_indices = #map}, {transform_indices = #map}, {transform_indices = #map}, {transform_indices = #map}, {transform_indices = #map}, {transform_indices = #map1}, {transform_indices = #map}, {transform_indices = #map}, {transform_indices = #map1}]} {
    %mul3A = arith.constant 625 : i32
    %mul3A_0 = arith.muli %arg1, %mul3A : i32
    %add3A = arith.constant 0 : i32
    %add3A_1 = arith.addi %mul3A_0, %add3A : i32
    "tpu.region"() ({
      %run_scoped3A = tpu.sem_alloc : memref<!tpu.dma_semaphore, #tpu.memory_space<semaphore_mem>>
      %dma_start3A = arith.constant 0 : i32
      %dma_start3A_80 = tpu.memref_slice %arg15[%add3A_1, %dma_start3A] : memref<10000x128xf32, #tpu.memory_space<vmem_shared>> -> memref<125x128xf32, #tpu.memory_space<vmem_shared>>
      tpu.enqueue_dma source(%arg6 : memref<125x128xf32, #tpu.memory_space<hbm>>) target(%dma_start3A_80 : memref<125x128xf32, #tpu.memory_space<vmem_shared>>) target_semaphore(%run_scoped3A : memref<!tpu.dma_semaphore, #tpu.memory_space<semaphore_mem>>)
      %dma_wait3A = arith.constant 0 : i32
      %dma_wait3A_81 = tpu.memref_slice %arg15[%add3A_1, %dma_wait3A] : memref<10000x128xf32, #tpu.memory_space<vmem_shared>> -> memref<125x128xf32, #tpu.memory_space<vmem_shared>>
      tpu.wait_dma2 semaphore(%run_scoped3A : memref<!tpu.dma_semaphore, #tpu.memory_space<semaphore_mem>>) src(%arg6 : memref<125x128xf32, #tpu.memory_space<hbm>>) dst(%dma_wait3A_81 : memref<125x128xf32, #tpu.memory_space<vmem_shared>>)
      tpu.yield
    }) : () -> ()
    %mul3A_2 = arith.constant 625 : i32
    %mul3A_3 = arith.muli %arg1, %mul3A_2 : i32
    %add3A_4 = arith.constant 125 : i32
    %add3A_5 = arith.addi %mul3A_3, %add3A_4 : i32
    "tpu.region"() ({
      %run_scoped3A = tpu.sem_alloc : memref<!tpu.dma_semaphore, #tpu.memory_space<semaphore_mem>>
      %dma_start3A = arith.constant 0 : i32
      %dma_start3A_80 = tpu.memref_slice %arg15[%add3A_5, %dma_start3A] : memref<10000x128xf32, #tpu.memory_space<vmem_shared>> -> memref<125x128xf32, #tpu.memory_space<vmem_shared>>
      tpu.enqueue_dma source(%arg6 : memref<125x128xf32, #tpu.memory_space<hbm>>) target(%dma_start3A_80 : memref<125x128xf32, #tpu.memory_space<vmem_shared>>) target_semaphore(%run_scoped3A : memref<!tpu.dma_semaphore, #tpu.memory_space<semaphore_mem>>)
      %dma_wait3A = arith.constant 0 : i32
      %dma_wait3A_81 = tpu.memref_slice %arg15[%add3A_5, %dma_wait3A] : memref<10000x128xf32, #tpu.memory_space<vmem_shared>> -> memref<125x128xf32, #tpu.memory_space<vmem_shared>>
      tpu.wait_dma2 semaphore(%run_scoped3A : memref<!tpu.dma_semaphore, #tpu.memory_space<semaphore_mem>>) src(%arg6 : memref<125x128xf32, #tpu.memory_space<hbm>>) dst(%dma_wait3A_81 : memref<125x128xf32, #tpu.memory_space<vmem_shared>>)
      tpu.yield
    }) : () -> ()
    %mul3A_6 = arith.constant 625 : i32
    %mul3A_7 = arith.muli %arg1, %mul3A_6 : i32
    %add3A_8 = arith.constant 250 : i32
    %add3A_9 = arith.addi %mul3A_7, %add3A_8 : i32
    "tpu.region"() ({
      %run_scoped3A = tpu.sem_alloc : memref<!tpu.dma_semaphore, #tpu.memory_space<semaphore_mem>>
      %dma_start3A = arith.constant 0 : i32
      %dma_start3A_80 = tpu.memref_slice %arg15[%add3A_9, %dma_start3A] : memref<10000x128xf32, #tpu.memory_space<vmem_shared>> -> memref<125x128xf32, #tpu.memory_space<vmem_shared>>
      tpu.enqueue_dma source(%arg6 : memref<125x128xf32, #tpu.memory_space<hbm>>) target(%dma_start3A_80 : memref<125x128xf32, #tpu.memory_space<vmem_shared>>) target_semaphore(%run_scoped3A : memref<!tpu.dma_semaphore, #tpu.memory_space<semaphore_mem>>)
      %dma_wait3A = arith.constant 0 : i32
      %dma_wait3A_81 = tpu.memref_slice %arg15[%add3A_9, %dma_wait3A] : memref<10000x128xf32, #tpu.memory_space<vmem_shared>> -> memref<125x128xf32, #tpu.memory_space<vmem_shared>>
      tpu.wait_dma2 semaphore(%run_scoped3A : memref<!tpu.dma_semaphore, #tpu.memory_space<semaphore_mem>>) src(%arg6 : memref<125x128xf32, #tpu.memory_space<hbm>>) dst(%dma_wait3A_81 : memref<125x128xf32, #tpu.memory_space<vmem_shared>>)
      tpu.yield
    }) : () -> ()
    %mul3A_10 = arith.constant 625 : i32
    %mul3A_11 = arith.muli %arg1, %mul3A_10 : i32
    %add3A_12 = arith.constant 375 : i32
    %add3A_13 = arith.addi %mul3A_11, %add3A_12 : i32
    "tpu.region"() ({
      %run_scoped3A = tpu.sem_alloc : memref<!tpu.dma_semaphore, #tpu.memory_space<semaphore_mem>>
      %dma_start3A = arith.constant 0 : i32
      %dma_start3A_80 = tpu.memref_slice %arg15[%add3A_13, %dma_start3A] : memref<10000x128xf32, #tpu.memory_space<vmem_shared>> -> memref<125x128xf32, #tpu.memory_space<vmem_shared>>
      tpu.enqueue_dma source(%arg6 : memref<125x128xf32, #tpu.memory_space<hbm>>) target(%dma_start3A_80 : memref<125x128xf32, #tpu.memory_space<vmem_shared>>) target_semaphore(%run_scoped3A : memref<!tpu.dma_semaphore, #tpu.memory_space<semaphore_mem>>)
      %dma_wait3A = arith.constant 0 : i32
      %dma_wait3A_81 = tpu.memref_slice %arg15[%add3A_13, %dma_wait3A] : memref<10000x128xf32, #tpu.memory_space<vmem_shared>> -> memref<125x128xf32, #tpu.memory_space<vmem_shared>>
      tpu.wait_dma2 semaphore(%run_scoped3A : memref<!tpu.dma_semaphore, #tpu.memory_space<semaphore_mem>>) src(%arg6 : memref<125x128xf32, #tpu.memory_space<hbm>>) dst(%dma_wait3A_81 : memref<125x128xf32, #tpu.memory_space<vmem_shared>>)
      tpu.yield
    }) : () -> ()
    %mul3A_14 = arith.constant 625 : i32
    %mul3A_15 = arith.muli %arg1, %mul3A_14 : i32
    %add3A_16 = arith.constant 500 : i32
    %add3A_17 = arith.addi %mul3A_15, %add3A_16 : i32
    "tpu.region"() ({
      %run_scoped3A = tpu.sem_alloc : memref<!tpu.dma_semaphore, #tpu.memory_space<semaphore_mem>>
      %dma_start3A = arith.constant 0 : i32
      %dma_start3A_80 = tpu.memref_slice %arg15[%add3A_17, %dma_start3A] : memref<10000x128xf32, #tpu.memory_space<vmem_shared>> -> memref<125x128xf32, #tpu.memory_space<vmem_shared>>
      tpu.enqueue_dma source(%arg6 : memref<125x128xf32, #tpu.memory_space<hbm>>) target(%dma_start3A_80 : memref<125x128xf32, #tpu.memory_space<vmem_shared>>) target_semaphore(%run_scoped3A : memref<!tpu.dma_semaphore, #tpu.memory_space<semaphore_mem>>)
      %dma_wait3A = arith.constant 0 : i32
      %dma_wait3A_81 = tpu.memref_slice %arg15[%add3A_17, %dma_wait3A] : memref<10000x128xf32, #tpu.memory_space<vmem_shared>> -> memref<125x128xf32, #tpu.memory_space<vmem_shared>>
      tpu.wait_dma2 semaphore(%run_scoped3A : memref<!tpu.dma_semaphore, #tpu.memory_space<semaphore_mem>>) src(%arg6 : memref<125x128xf32, #tpu.memory_space<hbm>>) dst(%dma_wait3A_81 : memref<125x128xf32, #tpu.memory_space<vmem_shared>>)
      tpu.yield
    }) : () -> ()
    %eq3A = arith.constant 0 : i32
    %eq3A_18 = arith.cmpi eq, %arg0, %eq3A : i32
    %eq3A_19 = arith.constant 0 : i32
    %eq3A_20 = arith.cmpi eq, %arg1, %eq3A_19 : i32
    %and3A = arith.andi %eq3A_18, %eq3A_20 : i1
    %convert_element_type3A = arith.extui %and3A : i1 to i32
    %cond3A = arith.constant 0 : i32
    %cond3A_21 = arith.cmpi ne, %convert_element_type3A, %cond3A : i32
    scf.if %cond3A_21 {
      "tpu.region"() ({
        %run_scoped3A = tpu.sem_alloc : memref<!tpu.dma_semaphore, #tpu.memory_space<semaphore_mem>>
        tpu.enqueue_dma source(%arg7 : memref<10000xf32, #tpu.memory_space<hbm>>) target(%arg16 : memref<10000xf32, #tpu.memory_space<vmem_shared>>) target_semaphore(%run_scoped3A : memref<!tpu.dma_semaphore, #tpu.memory_space<semaphore_mem>>)
        tpu.wait_dma2 semaphore(%run_scoped3A : memref<!tpu.dma_semaphore, #tpu.memory_space<semaphore_mem>>) src(%arg7 : memref<10000xf32, #tpu.memory_space<hbm>>) dst(%arg16 : memref<10000xf32, #tpu.memory_space<vmem_shared>>)
        tpu.yield
      }) : () -> ()
    } else {
    }
    %mul3A_22 = arith.constant 250 : i32
    %mul3A_23 = arith.muli %arg1, %mul3A_22 : i32
    "tpu.region"() ({
      %run_scoped3A = tpu.sem_alloc : memref<!tpu.dma_semaphore, #tpu.memory_space<semaphore_mem>>
      %dma_start3A = arith.constant 0 : i32
      %dma_start3A_80 = tpu.memref_slice %arg5[%mul3A_23, %dma_start3A] : memref<4000x80xi32, #tpu.memory_space<hbm>> -> memref<250x80xi32, #tpu.memory_space<hbm>>
      %dma_start3A_81 = arith.constant 0 : i32
      %dma_start3A_82 = tpu.memref_slice %arg5[%mul3A_23, %dma_start3A_81] : memref<4000x80xi32, #tpu.memory_space<hbm>> -> memref<250x80xi32, #tpu.memory_space<hbm>>
      tpu.enqueue_dma source(%dma_start3A_82 : memref<250x80xi32, #tpu.memory_space<hbm>>) target(%arg12 : memref<250x80xi32, #tpu.memory_space<vmem>>) target_semaphore(%run_scoped3A : memref<!tpu.dma_semaphore, #tpu.memory_space<semaphore_mem>>)
      %dma_wait3A = arith.constant 0 : i32
      %dma_wait3A_83 = tpu.memref_slice %arg5[%mul3A_23, %dma_wait3A] : memref<4000x80xi32, #tpu.memory_space<hbm>> -> memref<250x80xi32, #tpu.memory_space<hbm>>
      %dma_wait3A_84 = arith.constant 0 : i32
      %dma_wait3A_85 = tpu.memref_slice %arg5[%mul3A_23, %dma_wait3A_84] : memref<4000x80xi32, #tpu.memory_space<hbm>> -> memref<250x80xi32, #tpu.memory_space<hbm>>
      tpu.wait_dma2 semaphore(%run_scoped3A : memref<!tpu.dma_semaphore, #tpu.memory_space<semaphore_mem>>) src(%dma_wait3A_85 : memref<250x80xi32, #tpu.memory_space<hbm>>) dst(%arg12 : memref<250x80xi32, #tpu.memory_space<vmem>>)
      tpu.yield
    }) : () -> ()
    %eq3A_24 = arith.constant 1 : i32
    %eq3A_25 = arith.cmpi eq, %arg0, %eq3A_24 : i32
    %convert_element_type3A_26 = arith.extui %eq3A_25 : i1 to i32
    %cond3A_27 = arith.constant 0 : i32
    %cond3A_28 = arith.cmpi ne, %convert_element_type3A_26, %cond3A_27 : i32
    scf.if %cond3A_28 {
      %mul3A_80 = arith.constant 250 : i32
      %mul3A_81 = arith.muli %arg1, %mul3A_80 : i32
      "tpu.region"() ({
        %run_scoped3A = tpu.sem_alloc : memref<!tpu.dma_semaphore, #tpu.memory_space<semaphore_mem>>
        %dma_start3A = arith.constant 0 : i32
        %dma_start3A_82 = tpu.memref_slice %arg4[%mul3A_81, %dma_start3A] : memref<4000x80xi32, #tpu.memory_space<hbm>> -> memref<250x80xi32, #tpu.memory_space<hbm>>
        %dma_start3A_83 = arith.constant 0 : i32
        %dma_start3A_84 = tpu.memref_slice %arg4[%mul3A_81, %dma_start3A_83] : memref<4000x80xi32, #tpu.memory_space<hbm>> -> memref<250x80xi32, #tpu.memory_space<hbm>>
        tpu.enqueue_dma source(%dma_start3A_84 : memref<250x80xi32, #tpu.memory_space<hbm>>) target(%arg11 : memref<250x80xi32, #tpu.memory_space<vmem>>) target_semaphore(%run_scoped3A : memref<!tpu.dma_semaphore, #tpu.memory_space<semaphore_mem>>)
        %dma_wait3A = arith.constant 0 : i32
        %dma_wait3A_85 = tpu.memref_slice %arg4[%mul3A_81, %dma_wait3A] : memref<4000x80xi32, #tpu.memory_space<hbm>> -> memref<250x80xi32, #tpu.memory_space<hbm>>
        %dma_wait3A_86 = arith.constant 0 : i32
        %dma_wait3A_87 = tpu.memref_slice %arg4[%mul3A_81, %dma_wait3A_86] : memref<4000x80xi32, #tpu.memory_space<hbm>> -> memref<250x80xi32, #tpu.memory_space<hbm>>
        tpu.wait_dma2 semaphore(%run_scoped3A : memref<!tpu.dma_semaphore, #tpu.memory_space<semaphore_mem>>) src(%dma_wait3A_87 : memref<250x80xi32, #tpu.memory_space<hbm>>) dst(%arg11 : memref<250x80xi32, #tpu.memory_space<vmem>>)
        tpu.yield
      }) : () -> ()
    } else {
    }
    %broadcast_in_dim3A = arith.constant 1.000000e+00 : f32
    %broadcast_in_dim3A_29 = vector.broadcast %broadcast_in_dim3A : f32 to vector<16xf32>
    %swap3A = arith.constant 0 : index
    %swap3A_30 = tpu.vector_load %arg14[%swap3A] {strides = array<i32>} : memref<80xf32, #tpu.memory_space<vmem>>, vector<16xf32>,
    %swap3A_31 = vector.shape_cast %swap3A_30 : vector<16xf32> to vector<16xf32>
    %swap3A_32 = vector.shape_cast %broadcast_in_dim3A_29 : vector<16xf32> to vector<16xf32>
    tpu.vector_store %arg14[%swap3A], %swap3A_32 {strides = array<i32>} : memref<80xf32, #tpu.memory_space<vmem>>, vector<16xf32>,
    %broadcast_in_dim3A_33 = arith.constant 1.000000e+00 : f32
    %broadcast_in_dim3A_34 = vector.broadcast %broadcast_in_dim3A_33 : f32 to vector<16xf32>
    %swap3A_35 = arith.constant 16 : index
    %swap3A_36 = tpu.vector_load %arg14[%swap3A_35] {strides = array<i32>} : memref<80xf32, #tpu.memory_space<vmem>>, vector<16xf32>,
    %swap3A_37 = vector.shape_cast %swap3A_36 : vector<16xf32> to vector<16xf32>
    %swap3A_38 = vector.shape_cast %broadcast_in_dim3A_34 : vector<16xf32> to vector<16xf32>
    tpu.vector_store %arg14[%swap3A_35], %swap3A_38 {strides = array<i32>} : memref<80xf32, #tpu.memory_space<vmem>>, vector<16xf32>,
    %broadcast_in_dim3A_39 = arith.constant 1.000000e+00 : f32
    %broadcast_in_dim3A_40 = vector.broadcast %broadcast_in_dim3A_39 : f32 to vector<16xf32>
    %swap3A_41 = arith.constant 32 : index
    %swap3A_42 = tpu.vector_load %arg14[%swap3A_41] {strides = array<i32>} : memref<80xf32, #tpu.memory_space<vmem>>, vector<16xf32>,
    %swap3A_43 = vector.shape_cast %swap3A_42 : vector<16xf32> to vector<16xf32>
    %swap3A_44 = vector.shape_cast %broadcast_in_dim3A_40 : vector<16xf32> to vector<16xf32>
    tpu.vector_store %arg14[%swap3A_41], %swap3A_44 {strides = array<i32>} : memref<80xf32, #tpu.memory_space<vmem>>, vector<16xf32>,
    %broadcast_in_dim3A_45 = arith.constant 1.000000e+00 : f32
    %broadcast_in_dim3A_46 = vector.broadcast %broadcast_in_dim3A_45 : f32 to vector<16xf32>
    %swap3A_47 = arith.constant 48 : index
    %swap3A_48 = tpu.vector_load %arg14[%swap3A_47] {strides = array<i32>} : memref<80xf32, #tpu.memory_space<vmem>>, vector<16xf32>,
    %swap3A_49 = vector.shape_cast %swap3A_48 : vector<16xf32> to vector<16xf32>
    %swap3A_50 = vector.shape_cast %broadcast_in_dim3A_46 : vector<16xf32> to vector<16xf32>
    tpu.vector_store %arg14[%swap3A_47], %swap3A_50 {strides = array<i32>} : memref<80xf32, #tpu.memory_space<vmem>>, vector<16xf32>,
    %broadcast_in_dim3A_51 = arith.constant 1.000000e+00 : f32
    %broadcast_in_dim3A_52 = vector.broadcast %broadcast_in_dim3A_51 : f32 to vector<16xf32>
    %swap3A_53 = arith.constant 64 : index
    %swap3A_54 = tpu.vector_load %arg14[%swap3A_53] {strides = array<i32>} : memref<80xf32, #tpu.memory_space<vmem>>, vector<16xf32>,
    %swap3A_55 = vector.shape_cast %swap3A_54 : vector<16xf32> to vector<16xf32>
    %swap3A_56 = vector.shape_cast %broadcast_in_dim3A_52 : vector<16xf32> to vector<16xf32>
    tpu.vector_store %arg14[%swap3A_53], %swap3A_56 {strides = array<i32>} : memref<80xf32, #tpu.memory_space<vmem>>, vector<16xf32>,
    %barrier3A = arith.constant 0 : index
    tpu.barrier barrier_id(%barrier3A)
    %mul3A_57 = arith.constant 250 : i32
    %mul3A_58 = arith.muli %arg1, %mul3A_57 : i32
    %eq3A_59 = arith.constant 0 : i32
    %eq3A_60 = arith.cmpi eq, %arg0, %eq3A_59 : i32
    %convert_element_type3A_61 = arith.extui %eq3A_60 : i1 to i32
    %cond3A_62 = arith.constant 0 : i32
    %cond3A_63 = arith.cmpi ne, %convert_element_type3A_61, %cond3A_62 : i32
    scf.if %cond3A_63 {
      %scan3A = arith.constant 0 : i32
      %scan3A_80 = arith.constant 0 : i32
      %scan3A_81 = arith.constant 250 : i32
      %scan3A_82 = arith.addi %scan3A_80, %scan3A_81 : i32
      %scan3A_83 = arith.constant 1 : i32
      scf.for %scan3A_85 = %scan3A_80 to %scan3A_82 step %scan3A_83  : i32 {
        %add3A_86 = arith.addi %mul3A_58, %scan3A_85 : i32
        %mul3A_87 = arith.constant 80 : i32
        %mul3A_88 = arith.muli %add3A_86, %mul3A_87 : i32
        "tpu.region"() ({
          %run_scoped3A = tpu.sem_alloc : memref<!tpu.dma_semaphore, #tpu.memory_space<semaphore_mem>>
          %dma_start3A = arith.constant 0 : i32
          %dma_start3A_89 = tpu.memref_slice %arg2[%mul3A_88, %dma_start3A] : memref<320000x128xf32, #tpu.memory_space<hbm>> -> memref<80x128xf32, #tpu.memory_space<hbm>>
          %dma_start3A_90 = arith.constant 0 : i32
          %dma_start3A_91 = tpu.memref_slice %arg2[%mul3A_88, %dma_start3A_90] : memref<320000x128xf32, #tpu.memory_space<hbm>> -> memref<80x128xf32, #tpu.memory_space<hbm>>
          tpu.enqueue_dma source(%dma_start3A_91 : memref<80x128xf32, #tpu.memory_space<hbm>>) target(%arg13 : memref<80x128xf32, #tpu.memory_space<vmem>>) target_semaphore(%run_scoped3A : memref<!tpu.dma_semaphore, #tpu.memory_space<semaphore_mem>>)
          %dma_wait3A = arith.constant 0 : i32
          %dma_wait3A_92 = tpu.memref_slice %arg2[%mul3A_88, %dma_wait3A] : memref<320000x128xf32, #tpu.memory_space<hbm>> -> memref<80x128xf32, #tpu.memory_space<hbm>>
          %dma_wait3A_93 = arith.constant 0 : i32
          %dma_wait3A_94 = tpu.memref_slice %arg2[%mul3A_88, %dma_wait3A_93] : memref<320000x128xf32, #tpu.memory_space<hbm>> -> memref<80x128xf32, #tpu.memory_space<hbm>>
          tpu.wait_dma2 semaphore(%run_scoped3A : memref<!tpu.dma_semaphore, #tpu.memory_space<semaphore_mem>>) src(%dma_wait3A_94 : memref<80x128xf32, #tpu.memory_space<hbm>>) dst(%arg13 : memref<80x128xf32, #tpu.memory_space<vmem>>)
          tpu.yield
        }) : () -> ()
        "tpu.region"() ({
          %run_scoped3A = tpu.sem_alloc : memref<!tpu.dma_semaphore, #tpu.memory_space<semaphore_mem>>
          %dma_start3A = arith.constant 0 : i32
          %dma_start3A_89 = tpu.memref_slice %arg12[%scan3A_85, %dma_start3A] : memref<250x80xi32, #tpu.memory_space<vmem>> -> memref<1x80xi32, #tpu.memory_space<vmem>>
          %dma_start3A_90 = tpu.memref_squeeze %dma_start3A_89 : memref<1x80xi32, #tpu.memory_space<vmem>> -> memref<80xi32, #tpu.memory_space<vmem>>
          %dma_start3A_91 = arith.constant 0 : i32
          %dma_start3A_92 = arith.constant 0 : i32
          %dma_start3A_93 = tpu.memref_slice %arg15[%dma_start3A_91, %dma_start3A_92] : memref<10000x128xf32, #tpu.memory_space<vmem_shared>> -> memref<10000x128xf32, #tpu.memory_space<vmem_shared>>
          tpu.enqueue_indirect_dma source(%arg13 : memref<80x128xf32, #tpu.memory_space<vmem>>) target(%dma_start3A_93 : memref<10000x128xf32, #tpu.memory_space<vmem_shared>>) offsets(%dma_start3A_90 : memref<80xi32, #tpu.memory_space<vmem>>) semaphore(%run_scoped3A : memref<!tpu.dma_semaphore, #tpu.memory_space<semaphore_mem>>) {add = true}
          %dma_wait3A = arith.constant 0 : i32
          %dma_wait3A_94 = tpu.memref_slice %arg12[%scan3A_85, %dma_wait3A] : memref<250x80xi32, #tpu.memory_space<vmem>> -> memref<1x80xi32, #tpu.memory_space<vmem>>
          %dma_wait3A_95 = tpu.memref_squeeze %dma_wait3A_94 : memref<1x80xi32, #tpu.memory_space<vmem>> -> memref<80xi32, #tpu.memory_space<vmem>>
          %dma_wait3A_96 = arith.constant 0 : i32
          %dma_wait3A_97 = arith.constant 0 : i32
          %dma_wait3A_98 = tpu.memref_slice %arg15[%dma_wait3A_96, %dma_wait3A_97] : memref<10000x128xf32, #tpu.memory_space<vmem_shared>> -> memref<10000x128xf32, #tpu.memory_space<vmem_shared>>
          tpu.wait_indirect_dma semaphore(%run_scoped3A : memref<!tpu.dma_semaphore, #tpu.memory_space<semaphore_mem>>) src(%arg13 : memref<80x128xf32, #tpu.memory_space<vmem>>) dst(%dma_wait3A_98 : memref<10000x128xf32, #tpu.memory_space<vmem_shared>>)
          tpu.yield
        }) : () -> ()
        "tpu.region"() ({
          %run_scoped3A = tpu.sem_alloc : memref<!tpu.dma_semaphore, #tpu.memory_space<semaphore_mem>>
          %dma_start3A = arith.constant 0 : i32
          %dma_start3A_89 = tpu.memref_slice %arg12[%scan3A_85, %dma_start3A] : memref<250x80xi32, #tpu.memory_space<vmem>> -> memref<1x80xi32, #tpu.memory_space<vmem>>
          %dma_start3A_90 = tpu.memref_squeeze %dma_start3A_89 : memref<1x80xi32, #tpu.memory_space<vmem>> -> memref<80xi32, #tpu.memory_space<vmem>>
          %dma_start3A_91 = arith.constant 0 : i32
          %dma_start3A_92 = tpu.memref_slice %arg16[%dma_start3A_91] : memref<10000xf32, #tpu.memory_space<vmem_shared>> -> memref<10000xf32, #tpu.memory_space<vmem_shared>>
          tpu.enqueue_indirect_dma source(%arg14 : memref<80xf32, #tpu.memory_space<vmem>>) target(%dma_start3A_92 : memref<10000xf32, #tpu.memory_space<vmem_shared>>) offsets(%dma_start3A_90 : memref<80xi32, #tpu.memory_space<vmem>>) semaphore(%run_scoped3A : memref<!tpu.dma_semaphore, #tpu.memory_space<semaphore_mem>>) {add = true}
          %dma_wait3A = arith.constant 0 : i32
          %dma_wait3A_93 = tpu.memref_slice %arg12[%scan3A_85, %dma_wait3A] : memref<250x80xi32, #tpu.memory_space<vmem>> -> memref<1x80xi32, #tpu.memory_space<vmem>>
          %dma_wait3A_94 = tpu.memref_squeeze %dma_wait3A_93 : memref<1x80xi32, #tpu.memory_space<vmem>> -> memref<80xi32, #tpu.memory_space<vmem>>
          %dma_wait3A_95 = arith.constant 0 : i32
          %dma_wait3A_96 = tpu.memref_slice %arg16[%dma_wait3A_95] : memref<10000xf32, #tpu.memory_space<vmem_shared>> -> memref<10000xf32, #tpu.memory_space<vmem_shared>>
          tpu.wait_indirect_dma semaphore(%run_scoped3A : memref<!tpu.dma_semaphore, #tpu.memory_space<semaphore_mem>>) src(%arg14 : memref<80xf32, #tpu.memory_space<vmem>>) dst(%dma_wait3A_96 : memref<10000xf32, #tpu.memory_space<vmem_shared>>)
          tpu.yield
        }) : () -> ()
      }
      %scan3A_84 = arith.constant 250 : i32
    } else {
    }
    %eq3A_64 = arith.constant 1 : i32
    %eq3A_65 = arith.cmpi eq, %arg0, %eq3A_64 : i32
    %convert_element_type3A_66 = arith.extui %eq3A_65 : i1 to i32
    %cond3A_67 = arith.constant 0 : i32
    %cond3A_68 = arith.cmpi ne, %convert_element_type3A_66, %cond3A_67 : i32
    scf.if %cond3A_68 {
      %scan3A = arith.constant 0 : i32
      %scan3A_80 = arith.constant 0 : i32
      %scan3A_81 = arith.constant 250 : i32
      %scan3A_82 = arith.addi %scan3A_80, %scan3A_81 : i32
      %scan3A_83 = arith.constant 1 : i32
      scf.for %scan3A_85 = %scan3A_80 to %scan3A_82 step %scan3A_83  : i32 {
        %dma_start3A = arith.constant 0 : i32
        %dma_start3A_86 = tpu.memref_slice %arg11[%scan3A_85, %dma_start3A] : memref<250x80xi32, #tpu.memory_space<vmem>> -> memref<1x80xi32, #tpu.memory_space<vmem>>
        %dma_start3A_87 = tpu.memref_squeeze %dma_start3A_86 : memref<1x80xi32, #tpu.memory_space<vmem>> -> memref<80xi32, #tpu.memory_space<vmem>>
        %dma_start3A_88 = arith.constant 0 : i32
        %dma_start3A_89 = arith.constant 0 : i32
        %dma_start3A_90 = tpu.memref_slice %arg3[%dma_start3A_88, %dma_start3A_89] : memref<10000x128xf32, #tpu.memory_space<hbm>> -> memref<10000x128xf32, #tpu.memory_space<hbm>>
        tpu.enqueue_indirect_dma source(%dma_start3A_90 : memref<10000x128xf32, #tpu.memory_space<hbm>>) target(%arg13 : memref<80x128xf32, #tpu.memory_space<vmem>>) offsets(%dma_start3A_87 : memref<80xi32, #tpu.memory_space<vmem>>) semaphore(%arg17 : memref<!tpu.dma_semaphore, #tpu.memory_space<semaphore_mem>>)
        %dma_wait3A = arith.constant 0 : i32
        %dma_wait3A_91 = tpu.memref_slice %arg11[%scan3A_85, %dma_wait3A] : memref<250x80xi32, #tpu.memory_space<vmem>> -> memref<1x80xi32, #tpu.memory_space<vmem>>
        %dma_wait3A_92 = tpu.memref_squeeze %dma_wait3A_91 : memref<1x80xi32, #tpu.memory_space<vmem>> -> memref<80xi32, #tpu.memory_space<vmem>>
        %dma_wait3A_93 = arith.constant 0 : i32
        %dma_wait3A_94 = arith.constant 0 : i32
        %dma_wait3A_95 = tpu.memref_slice %arg3[%dma_wait3A_93, %dma_wait3A_94] : memref<10000x128xf32, #tpu.memory_space<hbm>> -> memref<10000x128xf32, #tpu.memory_space<hbm>>
        tpu.wait_indirect_dma semaphore(%arg17 : memref<!tpu.dma_semaphore, #tpu.memory_space<semaphore_mem>>) src(%dma_wait3A_95 : memref<10000x128xf32, #tpu.memory_space<hbm>>) dst(%arg13 : memref<80x128xf32, #tpu.memory_space<vmem>>)
        "tpu.region"() ({
          %run_scoped3A = tpu.sem_alloc : memref<!tpu.dma_semaphore, #tpu.memory_space<semaphore_mem>>
          %dma_start3A_96 = arith.constant 0 : i32
          %dma_start3A_97 = tpu.memref_slice %arg12[%scan3A_85, %dma_start3A_96] : memref<250x80xi32, #tpu.memory_space<vmem>> -> memref<1x80xi32, #tpu.memory_space<vmem>>
          %dma_start3A_98 = tpu.memref_squeeze %dma_start3A_97 : memref<1x80xi32, #tpu.memory_space<vmem>> -> memref<80xi32, #tpu.memory_space<vmem>>
          %dma_start3A_99 = arith.constant 0 : i32
          %dma_start3A_100 = arith.constant 0 : i32
          %dma_start3A_101 = tpu.memref_slice %arg15[%dma_start3A_99, %dma_start3A_100] : memref<10000x128xf32, #tpu.memory_space<vmem_shared>> -> memref<10000x128xf32, #tpu.memory_space<vmem_shared>>
          tpu.enqueue_indirect_dma source(%arg13 : memref<80x128xf32, #tpu.memory_space<vmem>>) target(%dma_start3A_101 : memref<10000x128xf32, #tpu.memory_space<vmem_shared>>) offsets(%dma_start3A_98 : memref<80xi32, #tpu.memory_space<vmem>>) semaphore(%run_scoped3A : memref<!tpu.dma_semaphore, #tpu.memory_space<semaphore_mem>>) {add = true}
          %dma_wait3A_102 = arith.constant 0 : i32
          %dma_wait3A_103 = tpu.memref_slice %arg12[%scan3A_85, %dma_wait3A_102] : memref<250x80xi32, #tpu.memory_space<vmem>> -> memref<1x80xi32, #tpu.memory_space<vmem>>
          %dma_wait3A_104 = tpu.memref_squeeze %dma_wait3A_103 : memref<1x80xi32, #tpu.memory_space<vmem>> -> memref<80xi32, #tpu.memory_space<vmem>>
          %dma_wait3A_105 = arith.constant 0 : i32
          %dma_wait3A_106 = arith.constant 0 : i32
          %dma_wait3A_107 = tpu.memref_slice %arg15[%dma_wait3A_105, %dma_wait3A_106] : memref<10000x128xf32, #tpu.memory_space<vmem_shared>> -> memref<10000x128xf32, #tpu.memory_space<vmem_shared>>
          tpu.wait_indirect_dma semaphore(%run_scoped3A : memref<!tpu.dma_semaphore, #tpu.memory_space<semaphore_mem>>) src(%arg13 : memref<80x128xf32, #tpu.memory_space<vmem>>) dst(%dma_wait3A_107 : memref<10000x128xf32, #tpu.memory_space<vmem_shared>>)
          tpu.yield
        }) : () -> ()
      }
      %scan3A_84 = arith.constant 250 : i32
    } else {
    }
    %barrier3A_69 = arith.constant 0 : index
    tpu.barrier barrier_id(%barrier3A_69)
    %eq3A_70 = arith.constant 0 : i32
    %eq3A_71 = arith.cmpi eq, %arg0, %eq3A_70 : i32
    %convert_element_type3A_72 = arith.extui %eq3A_71 : i1 to i32
    %cond3A_73 = arith.constant 0 : i32
    %cond3A_74 = arith.cmpi ne, %convert_element_type3A_72, %cond3A_73 : i32
    scf.if %cond3A_74 {
      %mul3A_80 = arith.constant 625 : i32
      %mul3A_81 = arith.muli %arg1, %mul3A_80 : i32
      %mul3A_82 = arith.constant 625 : i32
      %mul3A_83 = arith.muli %arg1, %mul3A_82 : i32
      "tpu.region"() ({
        %run_scoped3A = tpu.sem_alloc : memref<!tpu.dma_semaphore, #tpu.memory_space<semaphore_mem>>
        %dma_start3A = arith.constant 0 : i32
        %dma_start3A_89 = tpu.memref_slice %arg8[%mul3A_83, %dma_start3A] : memref<10000x128xf32, #tpu.memory_space<hbm>> -> memref<625x128xf32, #tpu.memory_space<hbm>>
        %dma_start3A_90 = arith.constant 0 : i32
        %dma_start3A_91 = tpu.memref_slice %arg15[%mul3A_81, %dma_start3A_90] : memref<10000x128xf32, #tpu.memory_space<vmem_shared>> -> memref<625x128xf32, #tpu.memory_space<vmem_shared>>
        tpu.enqueue_dma source(%dma_start3A_91 : memref<625x128xf32, #tpu.memory_space<vmem_shared>>) target(%dma_start3A_89 : memref<625x128xf32, #tpu.memory_space<hbm>>) target_semaphore(%run_scoped3A : memref<!tpu.dma_semaphore, #tpu.memory_space<semaphore_mem>>)
        %dma_wait3A = arith.constant 0 : i32
        %dma_wait3A_92 = tpu.memref_slice %arg8[%mul3A_83, %dma_wait3A] : memref<10000x128xf32, #tpu.memory_space<hbm>> -> memref<625x128xf32, #tpu.memory_space<hbm>>
        %dma_wait3A_93 = arith.constant 0 : i32
        %dma_wait3A_94 = tpu.memref_slice %arg15[%mul3A_81, %dma_wait3A_93] : memref<10000x128xf32, #tpu.memory_space<vmem_shared>> -> memref<625x128xf32, #tpu.memory_space<vmem_shared>>
        tpu.wait_dma2 semaphore(%run_scoped3A : memref<!tpu.dma_semaphore, #tpu.memory_space<semaphore_mem>>) src(%dma_wait3A_94 : memref<625x128xf32, #tpu.memory_space<vmem_shared>>) dst(%dma_wait3A_92 : memref<625x128xf32, #tpu.memory_space<hbm>>)
        tpu.yield
      }) : () -> ()
      %eq3A_84 = arith.constant 0 : i32
      %eq3A_85 = arith.cmpi eq, %arg1, %eq3A_84 : i32
      %convert_element_type3A_86 = arith.extui %eq3A_85 : i1 to i32
      %cond3A_87 = arith.constant 0 : i32
      %cond3A_88 = arith.cmpi ne, %convert_element_type3A_86, %cond3A_87 : i32
      scf.if %cond3A_88 {
        "tpu.region"() ({
          %run_scoped3A = tpu.sem_alloc : memref<!tpu.dma_semaphore, #tpu.memory_space<semaphore_mem>>
          tpu.enqueue_dma source(%arg16 : memref<10000xf32, #tpu.memory_space<vmem_shared>>) target(%arg10 : memref<10000xf32, #tpu.memory_space<hbm>>) target_semaphore(%run_scoped3A : memref<!tpu.dma_semaphore, #tpu.memory_space<semaphore_mem>>)
          tpu.wait_dma2 semaphore(%run_scoped3A : memref<!tpu.dma_semaphore, #tpu.memory_space<semaphore_mem>>) src(%arg16 : memref<10000xf32, #tpu.memory_space<vmem_shared>>) dst(%arg10 : memref<10000xf32, #tpu.memory_space<hbm>>)
          tpu.yield
        }) : () -> ()
      } else {
      }
    } else {
    }
    %eq3A_75 = arith.constant 1 : i32
    %eq3A_76 = arith.cmpi eq, %arg0, %eq3A_75 : i32
    %convert_element_type3A_77 = arith.extui %eq3A_76 : i1 to i32
    %cond3A_78 = arith.constant 0 : i32
    %cond3A_79 = arith.cmpi ne, %convert_element_type3A_77, %cond3A_78 : i32
    scf.if %cond3A_79 {
      %mul3A_80 = arith.constant 625 : i32
      %mul3A_81 = arith.muli %arg1, %mul3A_80 : i32
      %mul3A_82 = arith.constant 625 : i32
      %mul3A_83 = arith.muli %arg1, %mul3A_82 : i32
      "tpu.region"() ({
        %run_scoped3A = tpu.sem_alloc : memref<!tpu.dma_semaphore, #tpu.memory_space<semaphore_mem>>
        %dma_start3A = arith.constant 0 : i32
        %dma_start3A_84 = tpu.memref_slice %arg9[%mul3A_83, %dma_start3A] : memref<10000x128xf32, #tpu.memory_space<hbm>> -> memref<625x128xf32, #tpu.memory_space<hbm>>
        %dma_start3A_85 = arith.constant 0 : i32
        %dma_start3A_86 = tpu.memref_slice %arg15[%mul3A_81, %dma_start3A_85] : memref<10000x128xf32, #tpu.memory_space<vmem_shared>> -> memref<625x128xf32, #tpu.memory_space<vmem_shared>>
        tpu.enqueue_dma source(%dma_start3A_86 : memref<625x128xf32, #tpu.memory_space<vmem_shared>>) target(%dma_start3A_84 : memref<625x128xf32, #tpu.memory_space<hbm>>) target_semaphore(%run_scoped3A : memref<!tpu.dma_semaphore, #tpu.memory_space<semaphore_mem>>)
        %dma_wait3A = arith.constant 0 : i32
        %dma_wait3A_87 = tpu.memref_slice %arg9[%mul3A_83, %dma_wait3A] : memref<10000x128xf32, #tpu.memory_space<hbm>> -> memref<625x128xf32, #tpu.memory_space<hbm>>
        %dma_wait3A_88 = arith.constant 0 : i32
        %dma_wait3A_89 = tpu.memref_slice %arg15[%mul3A_81, %dma_wait3A_88] : memref<10000x128xf32, #tpu.memory_space<vmem_shared>> -> memref<625x128xf32, #tpu.memory_space<vmem_shared>>
        tpu.wait_dma2 semaphore(%run_scoped3A : memref<!tpu.dma_semaphore, #tpu.memory_space<semaphore_mem>>) src(%dma_wait3A_89 : memref<625x128xf32, #tpu.memory_space<vmem_shared>>) dst(%dma_wait3A_87 : memref<625x128xf32, #tpu.memory_space<hbm>>)
        tpu.yield
      }) : () -> ()
    } else {
    }
    return
  }
}

module attributes {stable_mosaic.version = 14 : i64} {
  func.func @body(%arg0: memref<10000x128xf32, #tpu.memory_space<vmem>>, %arg1: memref<128x128xf32, #tpu.memory_space<vmem>>, %arg2: memref<1x128xf32, #tpu.memory_space<vmem>>, %arg3: memref<10000x128xf32, #tpu.memory_space<vmem>>) attributes {dimension_semantics = [], scalar_prefetch = 0 : i64, scratch_operands = 0 : i64, tpu.core_type = #tpu.core_type<tc>} {
    %get3A = arith.constant 0 : index
    %get3A_0 = arith.constant 0 : index
    %get3A_1 = vector.load %arg0[%get3A, %get3A_0] : memref<10000x128xf32, #tpu.memory_space<vmem>>, vector<10000x128xf32>
    %get3A_2 = arith.constant 0 : index
    %get3A_3 = arith.constant 0 : index
    %get3A_4 = vector.load %arg1[%get3A_2, %get3A_3] : memref<128x128xf32, #tpu.memory_space<vmem>>, vector<128x128xf32>
    %dot_general3A = arith.constant dense<0.000000e+00> : vector<10000x128xf32>
    %dot_general3A_5 = tpu.matmul %get3A_1, %get3A_4, %dot_general3A {dimension_numbers = #tpu.dot_dimension_numbers<[1], [0], [0], [1], [0, 0, 1, 1], [], []>, transpose_lhs_hint = false} : vector<10000x128xf32>, vector<128x128xf32>, vector<10000x128xf32> -> vector<10000x128xf32>
    %get3A_6 = arith.constant 0 : index
    %get3A_7 = arith.constant 0 : index
    %get3A_8 = vector.load %arg2[%get3A_6, %get3A_7] : memref<1x128xf32, #tpu.memory_space<vmem>>, vector<1x128xf32>
    %add3A = vector.broadcast %get3A_8 : vector<1x128xf32> to vector<10000x128xf32>
    %add3A_9 = arith.addf %dot_general3A_5, %add3A : vector<10000x128xf32>
    %max3A = arith.constant 0.000000e+00 : f32
    %max3A_10 = vector.broadcast %max3A : f32 to vector<10000x128xf32>
    %max3A_11 = arith.maximumf %add3A_9, %max3A_10 : vector<10000x128xf32>
    %swap3A = arith.constant 0 : index
    %swap3A_12 = arith.constant 0 : index
    %swap3A_13 = vector.load %arg3[%swap3A, %swap3A_12] : memref<10000x128xf32, #tpu.memory_space<vmem>>, vector<10000x128xf32>
    tpu.vector_store %arg3[%swap3A, %swap3A_12], %max3A_11 {strides = array<i32>} : memref<10000x128xf32, #tpu.memory_space<vmem>>, vector<10000x128xf32>,
    return
  }
}

module attributes {stable_mosaic.version = 14 : i64} {
  func.func @body(%arg0: i32, %arg1: memref<8000x128xf32, #tpu.memory_space<vmem>>, %arg2: memref<128x128xf32, #tpu.memory_space<vmem>>, %arg3: memref<1x128xf32, #tpu.memory_space<vmem>>, %arg4: memref<128x1xf32, #tpu.memory_space<vmem>>, %arg5: memref<1x1xf32, #tpu.memory_space<vmem>>, %arg6: memref<8000x128xf32, #tpu.memory_space<vmem>>, %arg7: memref<8000x1xf32, #tpu.memory_space<vmem>>) attributes {dimension_semantics = [#tpu.dimension_semantics<arbitrary>], iteration_bounds = array<i64: 40>, scalar_prefetch = 0 : i64, scratch_operands = 0 : i64, tpu.core_type = #tpu.core_type<tc>, window_params = [{transform_indices = @transform_0, window_bounds = array<i64: 8000, 128>}, {pipeline_mode = #tpu.pipeline_mode<synchronous>, transform_indices = @transform_1, window_bounds = array<i64: 128, 128>}, {pipeline_mode = #tpu.pipeline_mode<synchronous>, transform_indices = @transform_2, window_bounds = array<i64: 1, 128>}, {pipeline_mode = #tpu.pipeline_mode<synchronous>, transform_indices = @transform_3, window_bounds = array<i64: 128, 1>}, {pipeline_mode = #tpu.pipeline_mode<synchronous>, transform_indices = @transform_4, window_bounds = array<i64: 1, 1>}, {transform_indices = @transform_5, window_bounds = array<i64: 8000, 128>}, {transform_indices = @transform_6, window_bounds = array<i64: 8000, 1>}]} {
    %get3A = arith.constant 0 : index
    %get3A_0 = arith.constant 0 : index
    %get3A_1 = vector.load %arg1[%get3A, %get3A_0] : memref<8000x128xf32, #tpu.memory_space<vmem>>, vector<8000x128xf32>
    %get3A_2 = arith.constant 0 : index
    %get3A_3 = arith.constant 0 : index
    %get3A_4 = vector.load %arg2[%get3A_2, %get3A_3] : memref<128x128xf32, #tpu.memory_space<vmem>>, vector<128x128xf32>
    %dot_general3A = arith.constant dense<0.000000e+00> : vector<8000x128xf32>
    %dot_general3A_5 = tpu.matmul %get3A_1, %get3A_4, %dot_general3A {dimension_numbers = #tpu.dot_dimension_numbers<[1], [0], [0], [1], [0, 0, 1, 1], [], []>, transpose_lhs_hint = false} : vector<8000x128xf32>, vector<128x128xf32>, vector<8000x128xf32> -> vector<8000x128xf32>
    %get3A_6 = arith.constant 0 : index
    %get3A_7 = arith.constant 0 : index
    %get3A_8 = vector.load %arg3[%get3A_6, %get3A_7] : memref<1x128xf32, #tpu.memory_space<vmem>>, vector<1x128xf32>
    %add3A = vector.broadcast %get3A_8 : vector<1x128xf32> to vector<8000x128xf32>
    %add3A_9 = arith.addf %dot_general3A_5, %add3A : vector<8000x128xf32>
    %max3A = arith.constant 0.000000e+00 : f32
    %max3A_10 = vector.broadcast %max3A : f32 to vector<8000x128xf32>
    %max3A_11 = arith.maximumf %add3A_9, %max3A_10 : vector<8000x128xf32>
    %swap3A = arith.constant 0 : index
    %swap3A_12 = arith.constant 0 : index
    %swap3A_13 = vector.load %arg6[%swap3A, %swap3A_12] : memref<8000x128xf32, #tpu.memory_space<vmem>>, vector<8000x128xf32>
    tpu.vector_store %arg6[%swap3A, %swap3A_12], %max3A_11 {strides = array<i32>} : memref<8000x128xf32, #tpu.memory_space<vmem>>, vector<8000x128xf32>,
    %get3A_14 = arith.constant 0 : index
    %get3A_15 = arith.constant 0 : index
    %get3A_16 = vector.load %arg4[%get3A_14, %get3A_15] : memref<128x1xf32, #tpu.memory_space<vmem>>, vector<128x1xf32>
    %dot_general3A_17 = arith.constant dense<0.000000e+00> : vector<8000x1xf32>
    %dot_general3A_18 = tpu.matmul %max3A_11, %get3A_16, %dot_general3A_17 {dimension_numbers = #tpu.dot_dimension_numbers<[1], [0], [0], [1], [0, 0, 1, 1], [], []>, transpose_lhs_hint = false} : vector<8000x128xf32>, vector<128x1xf32>, vector<8000x1xf32> -> vector<8000x1xf32>
    %get3A_19 = arith.constant 0 : index
    %get3A_20 = arith.constant 0 : index
    %get3A_21 = vector.load %arg5[%get3A_19, %get3A_20] : memref<1x1xf32, #tpu.memory_space<vmem>>, vector<1x1xf32>
    %add3A_22 = vector.broadcast %get3A_21 : vector<1x1xf32> to vector<8000x1xf32>
    %add3A_23 = arith.addf %dot_general3A_18, %add3A_22 : vector<8000x1xf32>
    %swap3A_24 = arith.constant 0 : index
    %swap3A_25 = arith.constant 0 : index
    %swap3A_26 = vector.load %arg7[%swap3A_24, %swap3A_25] : memref<8000x1xf32, #tpu.memory_space<vmem>>, vector<8000x1xf32>
    tpu.vector_store %arg7[%swap3A_24, %swap3A_25], %add3A_23 {strides = array<i32>} : memref<8000x1xf32, #tpu.memory_space<vmem>>, vector<8000x1xf32>,
    return
  }
  func.func @transform_0(%arg0: i32) -> (i32, i32) {
    %c0_i32 = arith.constant 0 : i32
    %c0_i32_0 = arith.constant 0 : i32
    return %arg0, %c0_i32 : i32, i32
  }
  func.func @transform_1(%arg0: i32) -> (i32, i32) {
    %c0_i32 = arith.constant 0 : i32
    %c0_i32_0 = arith.constant 0 : i32
    %c0_i32_1 = arith.constant 0 : i32
    return %c0_i32, %c0_i32_0 : i32, i32
  }
  func.func @transform_2(%arg0: i32) -> (i32, i32) {
    %c0_i32 = arith.constant 0 : i32
    %c0_i32_0 = arith.constant 0 : i32
    %c0_i32_1 = arith.constant 0 : i32
    return %c0_i32, %c0_i32_0 : i32, i32
  }
  func.func @transform_3(%arg0: i32) -> (i32, i32) {
    %c0_i32 = arith.constant 0 : i32
    %c0_i32_0 = arith.constant 0 : i32
    %c0_i32_1 = arith.constant 0 : i32
    return %c0_i32, %c0_i32_0 : i32, i32
  }
  func.func @transform_4(%arg0: i32) -> (i32, i32) {
    %c0_i32 = arith.constant 0 : i32
    %c0_i32_0 = arith.constant 0 : i32
    %c0_i32_1 = arith.constant 0 : i32
    return %c0_i32, %c0_i32_0 : i32, i32
  }
  func.func @transform_5(%arg0: i32) -> (i32, i32) {
    %c0_i32 = arith.constant 0 : i32
    %c0_i32_0 = arith.constant 0 : i32
    return %arg0, %c0_i32 : i32, i32
  }
  func.func @transform_6(%arg0: i32) -> (i32, i32) {
    %c0_i32 = arith.constant 0 : i32
    %c0_i32_0 = arith.constant 0 : i32
    return %arg0, %c0_i32 : i32, i32
  }
}

module attributes {stable_mosaic.version = 14 : i64} {
  func.func @body(%arg0: memref<10000x128xf32, #tpu.memory_space<vmem>>, %arg1: memref<10000x128xf32, #tpu.memory_space<vmem>>, %arg2: memref<10000x128xf32, #tpu.memory_space<vmem>>, %arg3: memref<10000x1xf32, #tpu.memory_space<vmem>>, %arg4: memref<128x128xf32, #tpu.memory_space<vmem>>, %arg5: memref<128x128xf32, #tpu.memory_space<vmem>>, %arg6: memref<1x128xf32, #tpu.memory_space<vmem>>, %arg7: memref<10000x128xf32, #tpu.memory_space<vmem>>) attributes {dimension_semantics = [], scalar_prefetch = 0 : i64, scratch_operands = 0 : i64, tpu.core_type = #tpu.core_type<tc>} {
    %get3A = arith.constant 0 : index
    %get3A_0 = arith.constant 0 : index
    %get3A_1 = vector.load %arg1[%get3A, %get3A_0] : memref<10000x128xf32, #tpu.memory_space<vmem>>, vector<10000x128xf32>
    %get3A_2 = arith.constant 0 : index
    %get3A_3 = arith.constant 0 : index
    %get3A_4 = vector.load %arg2[%get3A_2, %get3A_3] : memref<10000x128xf32, #tpu.memory_space<vmem>>, vector<10000x128xf32>
    %add3A = arith.addf %get3A_1, %get3A_4 : vector<10000x128xf32>
    %get3A_5 = arith.constant 0 : index
    %get3A_6 = arith.constant 0 : index
    %get3A_7 = vector.load %arg3[%get3A_5, %get3A_6] : memref<10000x1xf32, #tpu.memory_space<vmem>>, vector<10000x1xf32>
    %max3A = arith.constant 1.000000e+00 : f32
    %max3A_8 = vector.broadcast %max3A : f32 to vector<10000x1xf32>
    %max3A_9 = arith.maximumf %get3A_7, %max3A_8 : vector<10000x1xf32>
    %div3A = vector.broadcast %max3A_9 : vector<10000x1xf32> to vector<10000x128xf32>
    %div3A_10 = arith.divf %add3A, %div3A : vector<10000x128xf32>
    %get3A_11 = arith.constant 0 : index
    %get3A_12 = arith.constant 0 : index
    %get3A_13 = vector.load %arg0[%get3A_11, %get3A_12] : memref<10000x128xf32, #tpu.memory_space<vmem>>, vector<10000x128xf32>
    %get3A_14 = arith.constant 0 : index
    %get3A_15 = arith.constant 0 : index
    %get3A_16 = vector.load %arg4[%get3A_14, %get3A_15] : memref<128x128xf32, #tpu.memory_space<vmem>>, vector<128x128xf32>
    %dot_general3A = arith.constant dense<0.000000e+00> : vector<10000x128xf32>
    %dot_general3A_17 = tpu.matmul %get3A_13, %get3A_16, %dot_general3A {dimension_numbers = #tpu.dot_dimension_numbers<[1], [0], [0], [1], [0, 0, 1, 1], [], []>, transpose_lhs_hint = false} : vector<10000x128xf32>, vector<128x128xf32>, vector<10000x128xf32> -> vector<10000x128xf32>
    %get3A_18 = arith.constant 0 : index
    %get3A_19 = arith.constant 0 : index
    %get3A_20 = vector.load %arg5[%get3A_18, %get3A_19] : memref<128x128xf32, #tpu.memory_space<vmem>>, vector<128x128xf32>
    %dot_general3A_21 = arith.constant dense<0.000000e+00> : vector<10000x128xf32>
    %dot_general3A_22 = tpu.matmul %div3A_10, %get3A_20, %dot_general3A_21 {dimension_numbers = #tpu.dot_dimension_numbers<[1], [0], [0], [1], [0, 0, 1, 1], [], []>, transpose_lhs_hint = false} : vector<10000x128xf32>, vector<128x128xf32>, vector<10000x128xf32> -> vector<10000x128xf32>
    %add3A_23 = arith.addf %dot_general3A_17, %dot_general3A_22 : vector<10000x128xf32>
    %get3A_24 = arith.constant 0 : index
    %get3A_25 = arith.constant 0 : index
    %get3A_26 = vector.load %arg6[%get3A_24, %get3A_25] : memref<1x128xf32, #tpu.memory_space<vmem>>, vector<1x128xf32>
    %add3A_27 = vector.broadcast %get3A_26 : vector<1x128xf32> to vector<10000x128xf32>
    %add3A_28 = arith.addf %add3A_23, %add3A_27 : vector<10000x128xf32>
    %max3A_29 = arith.constant 0.000000e+00 : f32
    %max3A_30 = vector.broadcast %max3A_29 : f32 to vector<10000x128xf32>
    %max3A_31 = arith.maximumf %add3A_28, %max3A_30 : vector<10000x128xf32>
    %swap3A = arith.constant 0 : index
    %swap3A_32 = arith.constant 0 : index
    %swap3A_33 = vector.load %arg7[%swap3A, %swap3A_32] : memref<10000x128xf32, #tpu.memory_space<vmem>>, vector<10000x128xf32>
    tpu.vector_store %arg7[%swap3A, %swap3A_32], %max3A_31 {strides = array<i32>} : memref<10000x128xf32, #tpu.memory_space<vmem>>, vector<10000x128xf32>,
    return
  }
}

module attributes {stable_mosaic.version = 14 : i64} {
  func.func @body(%arg0: memref<10000x128xf32, #tpu.memory_space<vmem>>, %arg1: memref<10000x128xf32, #tpu.memory_space<vmem>>, %arg2: memref<10000x128xf32, #tpu.memory_space<vmem>>, %arg3: memref<10000x128xf32, #tpu.memory_space<vmem>>, %arg4: memref<10000x1xf32, #tpu.memory_space<vmem>>, %arg5: memref<128x128xf32, #tpu.memory_space<vmem>>, %arg6: memref<128x128xf32, #tpu.memory_space<vmem>>, %arg7: memref<1x128xf32, #tpu.memory_space<vmem>>, %arg8: memref<128x2xf32, #tpu.memory_space<vmem>>, %arg9: memref<10000x2xf32, #tpu.memory_space<vmem>>) attributes {dimension_semantics = [], scalar_prefetch = 0 : i64, scratch_operands = 0 : i64, tpu.core_type = #tpu.core_type<tc>} {
    %get3A = arith.constant 0 : index
    %get3A_0 = arith.constant 0 : index
    %get3A_1 = vector.load %arg1[%get3A, %get3A_0] : memref<10000x128xf32, #tpu.memory_space<vmem>>, vector<10000x128xf32>
    %get3A_2 = arith.constant 0 : index
    %get3A_3 = arith.constant 0 : index
    %get3A_4 = vector.load %arg2[%get3A_2, %get3A_3] : memref<10000x128xf32, #tpu.memory_space<vmem>>, vector<10000x128xf32>
    %add3A = arith.addf %get3A_1, %get3A_4 : vector<10000x128xf32>
    %get3A_5 = arith.constant 0 : index
    %get3A_6 = arith.constant 0 : index
    %get3A_7 = vector.load %arg3[%get3A_5, %get3A_6] : memref<10000x128xf32, #tpu.memory_space<vmem>>, vector<10000x128xf32>
    %add3A_8 = arith.addf %add3A, %get3A_7 : vector<10000x128xf32>
    %get3A_9 = arith.constant 0 : index
    %get3A_10 = arith.constant 0 : index
    %get3A_11 = vector.load %arg4[%get3A_9, %get3A_10] : memref<10000x1xf32, #tpu.memory_space<vmem>>, vector<10000x1xf32>
    %max3A = arith.constant 1.000000e+00 : f32
    %max3A_12 = vector.broadcast %max3A : f32 to vector<10000x1xf32>
    %max3A_13 = arith.maximumf %get3A_11, %max3A_12 : vector<10000x1xf32>
    %div3A = vector.broadcast %max3A_13 : vector<10000x1xf32> to vector<10000x128xf32>
    %div3A_14 = arith.divf %add3A_8, %div3A : vector<10000x128xf32>
    %get3A_15 = arith.constant 0 : index
    %get3A_16 = arith.constant 0 : index
    %get3A_17 = vector.load %arg0[%get3A_15, %get3A_16] : memref<10000x128xf32, #tpu.memory_space<vmem>>, vector<10000x128xf32>
    %get3A_18 = arith.constant 0 : index
    %get3A_19 = arith.constant 0 : index
    %get3A_20 = vector.load %arg5[%get3A_18, %get3A_19] : memref<128x128xf32, #tpu.memory_space<vmem>>, vector<128x128xf32>
    %dot_general3A = arith.constant dense<0.000000e+00> : vector<10000x128xf32>
    %dot_general3A_21 = tpu.matmul %get3A_17, %get3A_20, %dot_general3A {dimension_numbers = #tpu.dot_dimension_numbers<[1], [0], [0], [1], [0, 0, 1, 1], [], []>, transpose_lhs_hint = false} : vector<10000x128xf32>, vector<128x128xf32>, vector<10000x128xf32> -> vector<10000x128xf32>
    %get3A_22 = arith.constant 0 : index
    %get3A_23 = arith.constant 0 : index
    %get3A_24 = vector.load %arg6[%get3A_22, %get3A_23] : memref<128x128xf32, #tpu.memory_space<vmem>>, vector<128x128xf32>
    %dot_general3A_25 = arith.constant dense<0.000000e+00> : vector<10000x128xf32>
    %dot_general3A_26 = tpu.matmul %div3A_14, %get3A_24, %dot_general3A_25 {dimension_numbers = #tpu.dot_dimension_numbers<[1], [0], [0], [1], [0, 0, 1, 1], [], []>, transpose_lhs_hint = false} : vector<10000x128xf32>, vector<128x128xf32>, vector<10000x128xf32> -> vector<10000x128xf32>
    %add3A_27 = arith.addf %dot_general3A_21, %dot_general3A_26 : vector<10000x128xf32>
    %get3A_28 = arith.constant 0 : index
    %get3A_29 = arith.constant 0 : index
    %get3A_30 = vector.load %arg7[%get3A_28, %get3A_29] : memref<1x128xf32, #tpu.memory_space<vmem>>, vector<1x128xf32>
    %add3A_31 = vector.broadcast %get3A_30 : vector<1x128xf32> to vector<10000x128xf32>
    %add3A_32 = arith.addf %add3A_27, %add3A_31 : vector<10000x128xf32>
    %get3A_33 = arith.constant 0 : index
    %get3A_34 = arith.constant 0 : index
    %get3A_35 = vector.load %arg8[%get3A_33, %get3A_34] : memref<128x2xf32, #tpu.memory_space<vmem>>, vector<128x2xf32>
    %dot_general3A_36 = arith.constant dense<0.000000e+00> : vector<10000x2xf32>
    %dot_general3A_37 = tpu.matmul %add3A_32, %get3A_35, %dot_general3A_36 {dimension_numbers = #tpu.dot_dimension_numbers<[1], [0], [0], [1], [0, 0, 1, 1], [], []>, transpose_lhs_hint = false} : vector<10000x128xf32>, vector<128x2xf32>, vector<10000x2xf32> -> vector<10000x2xf32>
    %swap3A = arith.constant 0 : index
    %swap3A_38 = arith.constant 0 : index
    %swap3A_39 = vector.load %arg9[%swap3A, %swap3A_38] : memref<10000x2xf32, #tpu.memory_space<vmem>>, vector<10000x2xf32>
    tpu.vector_store %arg9[%swap3A, %swap3A_38], %dot_general3A_37 {strides = array<i32>} : memref<10000x2xf32, #tpu.memory_space<vmem>>, vector<10000x2xf32>,
    return
  }
}

</mosaic_0001>

<sc_bundles>
// kernel: kernel.12.cloned.1.call-start
scs
__scs_entry_jumppad:
0x0: {  	(pc) =	sbr.rel $0x88, $3  }
0x1: {  	(tag) =	ssettag $0x0;
	lr =	simm.s32 $0x1  }
0x2: {  	[smem:$0x3F92] =	sst lr;
	_ =	strace $0xD0000000  }
0x3: {  	_ = 	snop  }
0x4: {  	_ = 	snop  }
0x5: {  	_ = 	snop  }
0x6: {  	_ = 	snop  }
0x7: {  	_ = 	snop  }
__scs_overlays_trampoline_lowered:
0x8: {  	[smem:$0x3FA1] =	sst s0  }
0x9: {  	[smem:$0x3FA2] =	sst s1  }
0xa: {  	[smem:$0x3FA3] =	sst s2  }
0xb: {  	[smem:$0x3FA4] =	sst s3  }
0xc: {  	[smem:$0x3FA5] =	sst s4  }
0xd: {  	[smem:$0x3FA6] =	sst s5  }
0xe: {  	[smem:$0x3FA7] =	sst s6  }
0xf: {  	[smem:$0x3FA8] =	sst s7  }
0x10: {  	[smem:$0x3FA9] =	sst s8  }
0x11: {  	[smem:$0x3FAA] =	sst s9;
	s0 =	simm.s32 @!p0 $0x0  }
0x12: {  	s1 =	sld [smem:$0x3F90];
	s0 =	simm.s32 @p0 $0x1  }
0x13: {  	[smem:$0x3FAB] =	sst s0;
	s0 =	simm.s32 @!p1 $0x0  }
0x14: {  	s2 =	sld [smem:$0x3F8F];
	s0 =	simm.s32 @p1 $0x1  }
0x15: {  	[smem:$0x3FAC] =	sst s0;
	s0 =	simm.s32 @!p2 $0x0  }
0x16: {  	s3 =	sld [smem:$0x3FDB];
	s0 =	simm.s32 @p2 $0x1  }
0x17: {  	s4 =	simm.s32 $0x1BF5;
	[smem:$0x3FAE] =	sst s0  }
0x18: {  	s0 =	sld [smem:$0x3F91];
	_ =	swait.ge [sflag:s4], $0x0  }
0x19: {  	s7 =	sld [smem:$0x3F92]  }
0x1a: {  	s8 =	sadd.s32 $0xFFFFE003, lr  }
0x1b: {  	s9 =	sadd.s32 $0xFFFFFEF7, lr;
	s5 =	simm.s32 $0xFFFFFFFF;
	p2 =	slt.u32 s8, $0xFFFFF086  }
0x1c: {  	p1 =	slt.u32 s9, $0xF7A;
	s5 =	simm.s32 @!p2 $0x0  }
0x1d: {  	s5 =	simm.s32 @p1 $0x1;
	p0 =	seq.s32 s7, s2  }
0x1e: {  	s7 =	smul.u32 @!p0 $0xF7A, s2;
	p2 =	seq.s32 @!p0 s5, $0x0  }
0x1f: {  	s9 =	smul.u32 $0xF7A, s1;
	s8 =	simm.s32 @!p0 $0x1BF5;
	p2 =	por !p2, p0  }
0x20: {  	[sflag:s8] =	ssyncset.s32 @!p0 $0xFFFFF086;
	s6 =	sadd.s32 @!p0 s3, s7;
	s7 =	simm.s32 @!p0 $0x108  }
0x21: {  	s3 =	sadd.s32 s3, s9;
	s6 =	sadd.s32 @!p0 $0x88, s6;
	s7 =	simm.s32 @p2 $0x1082  }
0x22: {  	[simem:s7], [sflag:s8] =	dma.local @!p0 [hbm:s6], $0xF7A  }
0x23: {  	s9 =	sor.u32 $0xD0000000, s2;
	s6 =	simm.s32 $0x108;
	_ =	swait.ge @!p0 [sflag:s8], $0x0  }
0x24: {  	s3 =	sadd.s32 $0x88, s3;
	s6 =	simm.s32 @!p1 $0x1082;
	[sflag:s4] =	ssyncset.s32 $0xFFFFF086  }
0x25: {  	[simem:s6], [sflag:s4] =	dma.local [hbm:s3], $0xF7A  }
0x26: {  	[smem:$0x3F92] =	sst s1;
	(tag) =	ssettag s2;
	_ =	strace s9  }
0x27: {  	s1 =	sld [smem:$0x3FA2]  }
0x28: {  	s2 =	sld [smem:$0x3FA3]  }
0x29: {  	s4 =	sld [smem:$0x3FA5]  }
0x2a: {  	p0 =	seq.s32 s5, $0x0;
	s5 =	sld [smem:$0x3FA6]  }
0x2b: {  	s6 =	sld [smem:$0x3FA7]  }
0x2c: {  	s7 =	sld [smem:$0x3FA8]  }
0x2d: {  	s3 =	simm.s32 $0x108;
	s8 =	sld [smem:$0x3FA9]  }
0x2e: {  	s3 =	simm.s32 @!p0 $0x1082;
	s9 =	sld [smem:$0x3FAA]  }
0x2f: {  	lr =	sadd.s32 s0, s3;
	s0 =	sld [smem:$0x3FA1]  }
0x30: {  	s3 =	sld [smem:$0x3FA4]  }
0x31: {  	[smem:$0x3FAD] =	sst s10  }
0x32: {  	s10 =	sld [smem:$0x3FAB];
	_ =	sdelay $0x3  }
0x33: {  	p0 =	seq.s32 s10, $0x1;
	s10 =	sld [smem:$0x3FAD];
	_ =	sdelay $0x3  }
0x34: {  	[smem:$0x3FAD] =	sst s10  }
0x35: {  	s10 =	sld [smem:$0x3FAC];
	_ =	sdelay $0x3  }
0x36: {  	p1 =	seq.s32 s10, $0x1;
	s10 =	sld [smem:$0x3FAD];
	_ =	sdelay $0x3  }
0x37: {  	[smem:$0x3FAD] =	sst s10  }
0x38: {  	s10 =	sld [smem:$0x3FAE]  }
0x39: {  	_ = 	snop;
	(pc) =	sbr.ind lr, $3  }
0x3a: {  	_ = 	snop  }
0x3b: {  	_ = 	snop  }
0x3c: {  	p2 =	seq.s32 s10, $0x1;
	s10 =	sld [smem:$0x3FAD]  }
0x3d: {  	_ =	shalt  }
0x3e: {  	_ =	shalt  }
0x3f: {  	_ =	shalt  }
0x40: {  	_ =	shalt  }
0x41: {  	_ =	shalt  }
0x42: {  	_ =	shalt  }
0x43: {  	_ =	shalt  }
0x44: {  	_ =	shalt  }
0x45: {  	_ =	shalt  }
0x46: {  	_ =	shalt  }
0x47: {  	_ =	shalt  }
0x48: {  	_ =	shalt  }
0x49: {  	_ =	shalt  }
0x4a: {  	_ =	shalt  }
0x4b: {  	_ =	shalt  }
0x4c: {  	_ =	shalt  }
0x4d: {  	_ =	shalt  }
0x4e: {  	_ =	shalt  }
0x4f: {  	_ =	shalt  }
0x50: {  	_ =	shalt  }
0x51: {  	_ =	shalt  }
0x52: {  	_ =	shalt  }
0x53: {  	_ =	shalt  }
0x54: {  	_ =	shalt  }
0x55: {  	_ =	shalt  }
0x56: {  	_ =	shalt  }
0x57: {  	_ =	shalt  }
0x58: {  	_ =	shalt  }
0x59: {  	_ =	shalt  }
0x5a: {  	_ =	shalt  }
0x5b: {  	_ =	shalt  }
0x5c: {  	_ =	shalt  }
0x5d: {  	_ =	shalt  }
0x5e: {  	_ =	shalt  }
0x5f: {  	_ =	shalt  }
0x60: {  	_ =	shalt  }
0x61: {  	_ =	shalt  }
0x62: {  	_ =	shalt  }
0x63: {  	_ =	shalt  }
0x64: {  	_ =	shalt  }
0x65: {  	_ =	shalt  }
0x66: {  	_ =	shalt  }
0x67: {  	_ =	shalt  }
0x68: {  	_ =	shalt  }
0x69: {  	_ =	shalt  }
0x6a: {  	_ =	shalt  }
0x6b: {  	_ =	shalt  }
0x6c: {  	_ =	shalt  }
0x6d: {  	_ =	shalt  }
0x6e: {  	_ =	shalt  }
0x6f: {  	_ =	shalt  }
0x70: {  	_ =	shalt  }
0x71: {  	_ =	shalt  }
0x72: {  	_ =	shalt  }
0x73: {  	_ =	shalt  }
0x74: {  	_ =	shalt  }
0x75: {  	_ =	shalt  }
0x76: {  	_ =	shalt  }
0x77: {  	_ =	shalt  }
0x78: {  	_ =	shalt  }
0x79: {  	_ =	shalt  }
0x7a: {  	_ =	shalt  }
0x7b: {  	_ =	shalt  }
0x7c: {  	_ =	shalt  }
0x7d: {  	_ =	shalt  }
0x7e: {  	_ =	shalt  }
0x7f: {  	_ =	shalt  }
0x80: {  	_ =	shalt  }
0x81: {  	_ =	shalt  }
0x82: {  	_ =	shalt  }
0x83: {  	_ =	shalt  }
0x84: {  	_ =	shalt  }
0x85: {  	_ =	shalt  }
0x86: {  	_ =	shalt  }
0x87: {  	_ =	shalt  }
.Lfunc_end0:
.L_simem_size_0:
called_computation.1_lowered:
.L_overlay_start_0:
0x88: {  	s2 =	sld [smem:$0x3FD9]  }
0x89: {  	s3 =	sld [smem:$0x3FFE];
	_ =	sdelay $0x1  }
0x8a: {  	s1 =	srdreg.scid  }
0x8b: {  	s0 =	sand.u32 $0x1, s1  }
0x8c: {  	s17 =	sshll.u32 s0, $0xA;
	s2 =	sadd.s32 s3, s2  }
0x8d: {  	s2 =	sadd.s32 s2, s17  }
0x8e: {  	[smem:$0x3FB9] =	sst s2  }
0x8f: {  	_ = 	snop  }
0x90: {  	s2 =	sld [smem:$0x3FD0];
	(tm) =	ssettm $0x1  }
0x91: {  	s18 =	sld [smem:$0x3FFB];
	_ =	sdelay $0x3  }
0x92: {  	_ =	strace s18  }
0x93: {  	s3 =	sld [smem:$0x3FFC];
	_ =	sdelay $0x3  }
0x94: {  	_ =	strace s3  }
0x95: {  	s3 =	sld [smem:$0x3FFD];
	_ =	sdelay $0x3  }
0x96: {  	_ =	strace s3  }
0x97: {  	_ =	strace $0x8FFFFFFF  }
0x98: {  	s19 =	sld [smem:$0x3FDB];
	_ =	sdelay $0x1  }
0x99: {  	s4 =	simm.s32 $_scs_section_size  }
0x9a: {  	s5 =	simm.s32 $_size__tile_overlayer_lowered;
	s6 =	simm.s32 $_tile_overlayer_lowered  }
0x9b: {  	s22 =	simm.s32 $0x1BFF;
	s21 =	sshll.u32 s6, $0x1;
	s3 =	sadd.s32 s4, s19  }
0x9c: {  	s7 =	simm.s32 $0x0;
	s20 =	sshll.u32 s5, $0x1;
	s5 =	sadd.s32 s21, s3  }
0x9d: {  	[timem:s7], [sflag:s22] =	dma.local [hbm:s5], s20  }
0x9e: {  	_ =	swait.ge [sflag:s22], s20  }
0x9f: {  	s4 =	ssub.s32 $0x0, s20;
	[sflag:s22] =	ssyncset.done $0x0  }
0xa0: {  	[sflag:s22] =	ssyncadd.s32 s4;
	_ =	sdelay $0x1  }
0xa1: {  	s23 =	simm.s32 $0x1B8B  }
0xa2: {  	_ =	swait.ge [sflag:s23], $0x1  }
0xa3: {  	[sflag:s23] =	ssyncset.done $0x0  }
0xa4: {  	s25 =	simm.s32 $0x1B8E;
	s24 =	sld [smem:$0x3FFE];
	[sflag:s23] =	ssyncadd.s32 $0xFFFFFFFF  }
0xa5: {  	s26 =	simm.s32 $execute0_lowered;
	[smem:$0x3FD2] =	sst s25  }
0xa6: {  	s5 =	sshll.u32 s26, $0x1;
	_ =	strace $0x80000049;
	[dreg:$0x1] =	wrdreg $0xFFFFFFFF  }
0xa7: {  	s28 =	simm.s32 $_size_execute0_lowered;
	s3 =	sadd.s32 s3, s5;
	[dreg:$0x0] =	wrdreg $0x0  }
0xa8: {  	s5 =	sshll.u32 s28, $0x1;
	[dreg:$0x2] =	wrdreg s3  }
0xa9: {  	[dreg:$0x3] =	wrdreg s5  }
0xaa: {  	[dreg:$0x4] =	wrdreg $0xC0  }
0xab: {  	_ =	task [dreg:s7], $0x5FFFF  }
0xac: {  	[dreg:$0x1] =	wrdreg $0xFFFFFFFF  }
0xad: {  	[dreg:$0x0] =	wrdreg $0x60  }
0xae: {  	[dreg:$0x2] =	wrdreg s24  }
0xaf: {  	[dreg:$0x3] =	wrdreg s2  }
0xb0: {  	[dreg:$0x4] =	wrdreg $0x76200  }
0xb1: {  	[dreg:$0x5] =	wrdreg $0x9  }
0xb2: {  	_ =	task.clear_ibuf [dreg:s7], $0x6FFFF;
	_ =	strace $0x90000049  }
0xb3: {  	s29 =	simm.s32 $0x9;
	_ =	strace $0x8000004B  }
0xb4: {  	_ =	swait.ge [sflag:s29], $0x1  }
0xb5: {  	[sflag:s29] =	ssyncadd.s32 $0xFFFFFFFF  }
0xb6: {  	_ =	strace $0x9000004B  }
0xb7: {  	_ =	sfence  }
0xb8: {  	s30 =	sld [smem:$0x0];
	_ =	sdelay $0x2  }
0xb9: {  	s31 =	sshll.u32 s1, $0xD;
	s1 =	sshrl.u32 s1, $0x2  }
0xba: {  	s3 =	sand.u32 $0x4000, s31;
	s1 =	sadd.s32 s1, s30  }
0xbb: {  	s0 =	sor.u32 s3, s0;
	s1 =	sshll.u32 s1, $0x11  }
0xbc: {  	s0 =	sor.u32 s1, s0  }
0xbd: {  	s0 =	sadd.s32 $0x8F2B, s0  }
0xbe: {  	[sflag:s0] =	ssyncadd.remote.s32 $0x1  }
0xbf: {  	_ =	sfence.sel $0xFFFF  }
0xc0: {  	[dreg:$0x0] =	wrdreg $0xFFFFFFFF;
	(pc) =	sbr.abs _section_cstart, $3  }
0xc1: {  	[dreg:$0x1] =	wrdreg $0xFFFFFFFF  }
0xc2: {  	_ =	task.clear_ibuf [dreg:s7], $0x2FFFF;
	_ =	strace $0x9FFFFFFF  }
0xc3: {  	(tm) =	ssettm $0x7FFFFFFF  }
tec
execute0_lowered:
.L_overlay_start_1:
0x0: {  	(tag) =	ssettag $0x1  }
0x1: {  	s10 =	rddreg [dreg:$0x0]  }
0x2: {  	s1 =	rddreg [dreg:$0x1]  }
0x3: {  	s2 =	rddreg [dreg:$0x2];
	s3 =	srdreg.scid  }
0x4: {  	s0 =	rddreg [dreg:$0x3];
	s4 =	simm.s32 $0x0;
	s7 =	sand.u32 $0x1, s3  }
0x5: {  	s19 =	simm.s32 $0x65A00;
	s3 =	stileid.u32;
	s6 =	smul.u32 $0x4E20, s7  }
0x6: {  	s20 =	simm.s32 $0x1;
	s21 =	simm.s32 $0x0;
	s8 =	smul.u32 $0x4E2, s3  }
0x7: {  	[smem:$0x7FF] =	sst s4;
	s5 =	sadd.s32 $0x17600, s10;
	s9 =	smul.u32 $0x4E200, s3  }
0x8: {  	_ =	strace $0x8000004A;
	s26 =	ssub.s32 $0x2, s7;
	s12 =	smul.u32 $0x13880, s3  }
0x9: {  	s29 =	sshll.u32 s3, $0x6;
	p0 =	seq.s32 s7, $0x1;
	s28 =	sshrl.u32 s26, $0x1  }
0xa: {  	s19 =	simm.s32 @!p0 $0xA02800;
	s6 =	sadd.s32 s8, s6;
	s13 =	ssub.s32 s26, s28  }
0xb: {  	s30 =	sshrl.u32 s9, $0x2;
	s14 =	sadd.s32 s12, s2;
	s31 =	sshrl.u32 s12, $0x3  }
0xc: {  	s12 =	simm.s32 $0x2;
	s11 =	sadd.s32 s6, s10;
	s6 =	sor.u32 $0x1C02, s29  }
0xd: {  	s8 =	sadd.s32 s30, s2;
	s9 =	smax.u32 s13, $0x1;
	s10 =	sadd.s32 s19, s10  }
0xe: {  	s19 =	simm.s32 $0x4E20;
	s15 =	sadd.s32 $0x3E80, s8;
	s16 =	sadd.s32 $0x7D00, s8  }
0xf: {  	s17 =	sadd.s32 $0xBB80, s8;
	s18 =	sadd.s32 $0xFA00, s8;
	s7 =	sadd.s32 $0xD800, s11  }
0x10: {  	s8 =	sadd.s32 $0x3A00, s11;
	s10 =	sadd.s32 s10, s31;
	s11 =	sshrl.u32 s14, $0x3  }
0x11: {  	s13 =	sshrl.u32 s15, $0x3;
	s14 =	sshrl.u32 s16, $0x3;
	s15 =	sshrl.u32 s17, $0x3  }
0x12: {  	s16 =	sshrl.u32 s18, $0x3;
	s17 =	simm.s32 $0x2710;
	s18 =	simm.s32 $0x50  }
.LBB2_1:
0x13: {  	[spmem:s11], [sflag:s6] =	dma.local [hbm:s1], $0x7D0  }
0x14: {  	_ =	swait.ge [sflag:s12], $0x7D0  }
0x15: {  	[sflag:s12] =	ssyncset.done $0x0  }
0x16: {  	[sflag:s12] =	ssyncadd.s32 $0xFFFFF830  }
0x17: {  	[spmem:s13], [sflag:s6] =	dma.local [hbm:s1], $0x7D0  }
0x18: {  	_ =	swait.ge [sflag:s12], $0x7D0  }
0x19: {  	[sflag:s12] =	ssyncset.done $0x0  }
0x1a: {  	[sflag:s12] =	ssyncadd.s32 $0xFFFFF830  }
0x1b: {  	[spmem:s14], [sflag:s6] =	dma.local [hbm:s1], $0x7D0  }
0x1c: {  	_ =	swait.ge [sflag:s12], $0x7D0  }
0x1d: {  	[sflag:s12] =	ssyncset.done $0x0  }
0x1e: {  	[sflag:s12] =	ssyncadd.s32 $0xFFFFF830  }
0x1f: {  	[spmem:s15], [sflag:s6] =	dma.local [hbm:s1], $0x7D0  }
0x20: {  	_ =	swait.ge [sflag:s12], $0x7D0  }
0x21: {  	[sflag:s12] =	ssyncset.done $0x0  }
0x22: {  	[sflag:s12] =	ssyncadd.s32 $0xFFFFF830  }
0x23: {  	[spmem:s16], [sflag:s6] =	dma.local [hbm:s1], $0x7D0  }
0x24: {  	_ =	swait.ge [sflag:s12], $0x7D0  }
0x25: {  	[sflag:s12] =	ssyncset.done $0x0  }
0x26: {  	[sflag:s12] =	ssyncadd.s32 $0xFFFFF830  }
0x27: {  	[tilespmem:s4], [sflag:$0x2] =	stream.linear.gather [hbm4b:s7+s4], $0x2710, $0x38;
	[tilespmem:$0x1AEA0] =	vst v63  }
0x28: {  	_ =	swait.ge [sflag:s12], $0x2710  }
0x29: {  	[sflag:s12] =	ssyncset.done $0x0  }
0x2a: {  	[sflag:s12] =	ssyncadd.s32 $0xFFFFD8F0  }
0x2b: {  	[tilespmem:s17], [sflag:$0x2] =	stream.linear.gather [hbm4b:s8+s4], $0x2710, $0x38;
	[tilespmem:$0x1AEA0] =	vst v63  }
0x2c: {  	_ =	swait.ge [sflag:s12], $0x2710  }
0x2d: {  	[sflag:s12] =	ssyncset.done $0x0  }
0x2e: {  	[sflag:s12] =	ssyncadd.s32 $0xFFFFD8F0  }
0x2f: {  	s22 =	simm.s32 $0x0;
	[bflag:$0x0] =	sbarrier.arrive $0xFFFF  }
0x30: {  	[tilespmem:s19], [sflag:$0x1] =	stream.indirect.gather [hbm4b:s5+s18], $0x80, s22, s18, $0xb8;
	[tilespmem:$0x1AEA0] =	vst v63  }
0x31: {  	_ =	swait.ge [sflag:s20], $0x2800  }
0x32: {  	[sflag:s20] =	ssyncset.done $0x0  }
0x33: {  	s31 =	simm.s32 $0x2710;
	[sflag:s20] =	ssyncadd.s32 $0xFFFFD800  }
0x34: {  	[spmem:s2] =	stream.indirect.scatter.add.f32 [tilespmem:s19], [sflag:$0x2], $0x80, s31, s18, $0xb8;
	[tilespmem:$0x1AEA0] =	vst v63  }
0x35: {  	_ =	swait.ge [sflag:s12], $0x2800  }
0x36: {  	s23 =	simm.s32 $0x280;
	s22 =	simm.s32 $0x140;
	[sflag:s12] =	ssyncset.done $0x0  }
.LBB2_2:
0x37: {  	s24 =	sshra.s32 s22, $0x2  }
0x38: {  	[sflag:s12] =	ssyncadd.s32 $0xFFFFD800;
	s22 =	smov.u32 s23;
	s25 =	sadd.s32 $0x140, s23  }
0x39: {  	[tilespmem:s19], [sflag:$0x1] =	stream.indirect.gather [hbm4b:s5+s18], $0x80, s24, s18, $0xb8;
	[tilespmem:$0x1AEA0] =	vst v63  }
0x3a: {  	p0 =	sne.s32 s23, $0x9B00;
	_ =	swait.ge [sflag:s20], $0x2800  }
.Ltmp0:
0x3b: {  	[sflag:s20] =	ssyncset.done $0x0;
	(pc) =	sbr.rel @p0 .LBB2_2-.Ltmp0, $4  }
0x3c: {  	s23 =	sadd.s32 $0x2710, s24;
	[sflag:s20] =	ssyncadd.s32 $0xFFFFD800  }
0x3d: {  	[spmem:s2] =	stream.indirect.scatter.add.f32 [tilespmem:s19], [sflag:$0x2], $0x80, s23, s18, $0xb8;
	[tilespmem:$0x1AEA0] =	vst v63  }
0x3e: {  	_ =	swait.ge [sflag:s12], $0x2800  }
0x3f: {  	s23 =	smov.u32 s25;
	[sflag:s12] =	ssyncset.done $0x0  }
0x40: {  	s22 =	sshra.s32 s22, $0x2;
	[sflag:s12] =	ssyncadd.s32 $0xFFFFD800  }
0x41: {  	[tilespmem:s19], [sflag:$0x1] =	stream.indirect.gather [hbm4b:s5+s18], $0x80, s22, s18, $0xb8;
	[tilespmem:$0x1AEA0] =	vst v63  }
0x42: {  	_ =	swait.ge [sflag:s20], $0x2800  }
0x43: {  	[sflag:s20] =	ssyncset.done $0x0  }
0x44: {  	s22 =	sadd.s32 $0x2710, s22;
	[sflag:s20] =	ssyncadd.s32 $0xFFFFD800  }
0x45: {  	[spmem:s2] =	stream.indirect.scatter.add.f32 [tilespmem:s19], [sflag:$0x2], $0x80, s22, s18, $0xb8;
	[tilespmem:$0x1AEA0] =	vst v63  }
0x46: {  	_ =	swait.ge [sflag:s12], $0x2800  }
0x47: {  	s21 =	sadd.s32 $0x1, s21;
	[sflag:s12] =	ssyncset.done $0x0  }
0x48: {  	p0 =	sne.s32 s21, s9;
	[sflag:s12] =	ssyncadd.s32 $0xFFFFD800  }
.Ltmp1:
0x49: {  	[bflag:$0x0] =	sbarrier.arrive $0xFFFF;
	(pc) =	sbr.rel @p0 .LBB2_1-.Ltmp1, $4  }
0x4a: {  	[hbm:s10], [sflag:s6] =	dma.local [spmem:s11], $0x2710  }
0x4b: {  	_ =	swait.ge [sflag:s12], $0x2710  }
0x4c: {  	[sflag:s12] =	ssyncset.done $0x0  }
0x4d: {  	[sflag:s12] =	ssyncadd.s32 $0xFFFFD8F0  }
0x4e: {  	_ =	sfence.sel $0x180000  }
0x4f: {  	[bflag:$0x0] =	sbarrier.arrive $0xFFFF  }
0x50: {  	p0 =	sne.s32 s3, $0x0;
	_ =	strace $0x9000004A  }
0x51: {  	s0 =	sadd.s32 @!p0 $0x100000, s0;
	[bflag:$0x2] =	sbarrier.arrive $0xFFFF  }
0x52: {  	[sflag:s0] =	ssyncadd.tile.s32 @!p0 $0x1;
	_ =	shalt  }
.Lfunc_end2:
_tile_overlayer_lowered:
.L_overlay_start_2:
0x53: {  	(tag) =	ssettag $0x2  }
0x54: {  	s0 =	rddreg [dreg:$0x0];
	s2 =	stileid.u32  }
0x55: {  	s1 =	rddreg [dreg:$0x1];
	p0 =	sne.s32 s2, $0x0  }
0x56: {  	s3 =	rddreg [dreg:$0x2];
	[bflag:$0x3] =	sbarrier.arrive $0xFFFF;
	s2 =	simm.s32 @!p0 $0x1C02  }
0x57: {  	[timem:s3], [sflag:s2] =	dma.local @!p0 [hbm:s0], s1  }
0x58: {  	s0 =	simm.s32 @!p0 $0x2  }
0x59: {  	_ =	swait.ge @!p0 [sflag:s0], s1  }
0x5a: {  	s1 =	ssub.s32 @!p0 $0x0, s1;
	[sflag:s0] =	ssyncset.done @!p0 $0x0  }
0x5b: {  	[sflag:s0] =	ssyncadd.s32 @!p0 s1  }
0x5c: {  	[bflag:$0x3] =	sbarrier.arrive $0xFFFF  }
0x5d: {  	_ =	shalt  }

// kernel: kernel.15.cloned.1.call-start
scs
__scs_entry_jumppad:
0x0: {  	(pc) =	sbr.rel $0x88, $3  }
0x1: {  	(tag) =	ssettag $0x0;
	lr =	simm.s32 $0x1  }
0x2: {  	[smem:$0x3F92] =	sst lr;
	_ =	strace $0xD0000000  }
0x3: {  	_ = 	snop  }
0x4: {  	_ = 	snop  }
0x5: {  	_ = 	snop  }
0x6: {  	_ = 	snop  }
0x7: {  	_ = 	snop  }
__scs_overlays_trampoline_lowered:
0x8: {  	[smem:$0x3FA1] =	sst s0  }
0x9: {  	[smem:$0x3FA2] =	sst s1  }
0xa: {  	[smem:$0x3FA3] =	sst s2  }
0xb: {  	[smem:$0x3FA4] =	sst s3  }
0xc: {  	[smem:$0x3FA5] =	sst s4  }
0xd: {  	[smem:$0x3FA6] =	sst s5  }
0xe: {  	[smem:$0x3FA7] =	sst s6  }
0xf: {  	[smem:$0x3FA8] =	sst s7  }
0x10: {  	[smem:$0x3FA9] =	sst s8  }
0x11: {  	[smem:$0x3FAA] =	sst s9;
	s0 =	simm.s32 @!p0 $0x0  }
0x12: {  	s1 =	sld [smem:$0x3F90];
	s0 =	simm.s32 @p0 $0x1  }
0x13: {  	[smem:$0x3FAB] =	sst s0;
	s0 =	simm.s32 @!p1 $0x0  }
0x14: {  	s2 =	sld [smem:$0x3F8F];
	s0 =	simm.s32 @p1 $0x1  }
0x15: {  	[smem:$0x3FAC] =	sst s0;
	s0 =	simm.s32 @!p2 $0x0  }
0x16: {  	s3 =	sld [smem:$0x3FDB];
	s0 =	simm.s32 @p2 $0x1  }
0x17: {  	s4 =	simm.s32 $0x1BF5;
	[smem:$0x3FAE] =	sst s0  }
0x18: {  	s0 =	sld [smem:$0x3F91];
	_ =	swait.ge [sflag:s4], $0x0  }
0x19: {  	s7 =	sld [smem:$0x3F92]  }
0x1a: {  	s8 =	sadd.s32 $0xFFFFE003, lr  }
0x1b: {  	s9 =	sadd.s32 $0xFFFFFEF7, lr;
	s5 =	simm.s32 $0xFFFFFFFF;
	p2 =	slt.u32 s8, $0xFFFFF086  }
0x1c: {  	p1 =	slt.u32 s9, $0xF7A;
	s5 =	simm.s32 @!p2 $0x0  }
0x1d: {  	s5 =	simm.s32 @p1 $0x1;
	p0 =	seq.s32 s7, s2  }
0x1e: {  	s7 =	smul.u32 @!p0 $0xF7A, s2;
	p2 =	seq.s32 @!p0 s5, $0x0  }
0x1f: {  	s9 =	smul.u32 $0xF7A, s1;
	s8 =	simm.s32 @!p0 $0x1BF5;
	p2 =	por !p2, p0  }
0x20: {  	[sflag:s8] =	ssyncset.s32 @!p0 $0xFFFFF086;
	s6 =	sadd.s32 @!p0 s3, s7;
	s7 =	simm.s32 @!p0 $0x108  }
0x21: {  	s3 =	sadd.s32 s3, s9;
	s6 =	sadd.s32 @!p0 $0x88, s6;
	s7 =	simm.s32 @p2 $0x1082  }
0x22: {  	[simem:s7], [sflag:s8] =	dma.local @!p0 [hbm:s6], $0xF7A  }
0x23: {  	s9 =	sor.u32 $0xD0000000, s2;
	s6 =	simm.s32 $0x108;
	_ =	swait.ge @!p0 [sflag:s8], $0x0  }
0x24: {  	s3 =	sadd.s32 $0x88, s3;
	s6 =	simm.s32 @!p1 $0x1082;
	[sflag:s4] =	ssyncset.s32 $0xFFFFF086  }
0x25: {  	[simem:s6], [sflag:s4] =	dma.local [hbm:s3], $0xF7A  }
0x26: {  	[smem:$0x3F92] =	sst s1;
	(tag) =	ssettag s2;
	_ =	strace s9  }
0x27: {  	s1 =	sld [smem:$0x3FA2]  }
0x28: {  	s2 =	sld [smem:$0x3FA3]  }
0x29: {  	s4 =	sld [smem:$0x3FA5]  }
0x2a: {  	p0 =	seq.s32 s5, $0x0;
	s5 =	sld [smem:$0x3FA6]  }
0x2b: {  	s6 =	sld [smem:$0x3FA7]  }
0x2c: {  	s7 =	sld [smem:$0x3FA8]  }
0x2d: {  	s3 =	simm.s32 $0x108;
	s8 =	sld [smem:$0x3FA9]  }
0x2e: {  	s3 =	simm.s32 @!p0 $0x1082;
	s9 =	sld [smem:$0x3FAA]  }
0x2f: {  	lr =	sadd.s32 s0, s3;
	s0 =	sld [smem:$0x3FA1]  }
0x30: {  	s3 =	sld [smem:$0x3FA4]  }
0x31: {  	[smem:$0x3FAD] =	sst s10  }
0x32: {  	s10 =	sld [smem:$0x3FAB];
	_ =	sdelay $0x3  }
0x33: {  	p0 =	seq.s32 s10, $0x1;
	s10 =	sld [smem:$0x3FAD];
	_ =	sdelay $0x3  }
0x34: {  	[smem:$0x3FAD] =	sst s10  }
0x35: {  	s10 =	sld [smem:$0x3FAC];
	_ =	sdelay $0x3  }
0x36: {  	p1 =	seq.s32 s10, $0x1;
	s10 =	sld [smem:$0x3FAD];
	_ =	sdelay $0x3  }
0x37: {  	[smem:$0x3FAD] =	sst s10  }
0x38: {  	s10 =	sld [smem:$0x3FAE]  }
0x39: {  	_ = 	snop;
	(pc) =	sbr.ind lr, $3  }
0x3a: {  	_ = 	snop  }
0x3b: {  	_ = 	snop  }
0x3c: {  	p2 =	seq.s32 s10, $0x1;
	s10 =	sld [smem:$0x3FAD]  }
0x3d: {  	_ =	shalt  }
0x3e: {  	_ =	shalt  }
0x3f: {  	_ =	shalt  }
0x40: {  	_ =	shalt  }
0x41: {  	_ =	shalt  }
0x42: {  	_ =	shalt  }
0x43: {  	_ =	shalt  }
0x44: {  	_ =	shalt  }
0x45: {  	_ =	shalt  }
0x46: {  	_ =	shalt  }
0x47: {  	_ =	shalt  }
0x48: {  	_ =	shalt  }
0x49: {  	_ =	shalt  }
0x4a: {  	_ =	shalt  }
0x4b: {  	_ =	shalt  }
0x4c: {  	_ =	shalt  }
0x4d: {  	_ =	shalt  }
0x4e: {  	_ =	shalt  }
0x4f: {  	_ =	shalt  }
0x50: {  	_ =	shalt  }
0x51: {  	_ =	shalt  }
0x52: {  	_ =	shalt  }
0x53: {  	_ =	shalt  }
0x54: {  	_ =	shalt  }
0x55: {  	_ =	shalt  }
0x56: {  	_ =	shalt  }
0x57: {  	_ =	shalt  }
0x58: {  	_ =	shalt  }
0x59: {  	_ =	shalt  }
0x5a: {  	_ =	shalt  }
0x5b: {  	_ =	shalt  }
0x5c: {  	_ =	shalt  }
0x5d: {  	_ =	shalt  }
0x5e: {  	_ =	shalt  }
0x5f: {  	_ =	shalt  }
0x60: {  	_ =	shalt  }
0x61: {  	_ =	shalt  }
0x62: {  	_ =	shalt  }
0x63: {  	_ =	shalt  }
0x64: {  	_ =	shalt  }
0x65: {  	_ =	shalt  }
0x66: {  	_ =	shalt  }
0x67: {  	_ =	shalt  }
0x68: {  	_ =	shalt  }
0x69: {  	_ =	shalt  }
0x6a: {  	_ =	shalt  }
0x6b: {  	_ =	shalt  }
0x6c: {  	_ =	shalt  }
0x6d: {  	_ =	shalt  }
0x6e: {  	_ =	shalt  }
0x6f: {  	_ =	shalt  }
0x70: {  	_ =	shalt  }
0x71: {  	_ =	shalt  }
0x72: {  	_ =	shalt  }
0x73: {  	_ =	shalt  }
0x74: {  	_ =	shalt  }
0x75: {  	_ =	shalt  }
0x76: {  	_ =	shalt  }
0x77: {  	_ =	shalt  }
0x78: {  	_ =	shalt  }
0x79: {  	_ =	shalt  }
0x7a: {  	_ =	shalt  }
0x7b: {  	_ =	shalt  }
0x7c: {  	_ =	shalt  }
0x7d: {  	_ =	shalt  }
0x7e: {  	_ =	shalt  }
0x7f: {  	_ =	shalt  }
0x80: {  	_ =	shalt  }
0x81: {  	_ =	shalt  }
0x82: {  	_ =	shalt  }
0x83: {  	_ =	shalt  }
0x84: {  	_ =	shalt  }
0x85: {  	_ =	shalt  }
0x86: {  	_ =	shalt  }
0x87: {  	_ =	shalt  }
.Lfunc_end0:
.L_simem_size_0:
called_computation.2_lowered:
.L_overlay_start_0:
0x88: {  	s2 =	sld [smem:$0x3FD9]  }
0x89: {  	s3 =	sld [smem:$0x3FFE];
	_ =	sdelay $0x1  }
0x8a: {  	s1 =	srdreg.scid  }
0x8b: {  	s0 =	sand.u32 $0x1, s1  }
0x8c: {  	s17 =	sshll.u32 s0, $0xA;
	s2 =	sadd.s32 s3, s2  }
0x8d: {  	s2 =	sadd.s32 s2, s17  }
0x8e: {  	[smem:$0x3FB9] =	sst s2  }
0x8f: {  	_ = 	snop  }
0x90: {  	s2 =	sld [smem:$0x3FD0];
	(tm) =	ssettm $0x1  }
0x91: {  	s18 =	sld [smem:$0x3FFB];
	_ =	sdelay $0x3  }
0x92: {  	_ =	strace s18  }
0x93: {  	s3 =	sld [smem:$0x3FFC];
	_ =	sdelay $0x3  }
0x94: {  	_ =	strace s3  }
0x95: {  	s3 =	sld [smem:$0x3FFD];
	_ =	sdelay $0x3  }
0x96: {  	_ =	strace s3  }
0x97: {  	_ =	strace $0x8FFFFFFF  }
0x98: {  	s19 =	sld [smem:$0x3FDB];
	_ =	sdelay $0x1  }
0x99: {  	s4 =	simm.s32 $_scs_section_size  }
0x9a: {  	s5 =	simm.s32 $_size__tile_overlayer_lowered;
	s6 =	simm.s32 $_tile_overlayer_lowered  }
0x9b: {  	s22 =	simm.s32 $0x1BFF;
	s21 =	sshll.u32 s6, $0x1;
	s3 =	sadd.s32 s4, s19  }
0x9c: {  	s7 =	simm.s32 $0x0;
	s20 =	sshll.u32 s5, $0x1;
	s5 =	sadd.s32 s21, s3  }
0x9d: {  	[timem:s7], [sflag:s22] =	dma.local [hbm:s5], s20  }
0x9e: {  	_ =	swait.ge [sflag:s22], s20  }
0x9f: {  	s4 =	ssub.s32 $0x0, s20;
	[sflag:s22] =	ssyncset.done $0x0  }
0xa0: {  	[sflag:s22] =	ssyncadd.s32 s4;
	_ =	sdelay $0x1  }
0xa1: {  	s23 =	simm.s32 $0x1B8B  }
0xa2: {  	_ =	swait.ge [sflag:s23], $0x1  }
0xa3: {  	[sflag:s23] =	ssyncset.done $0x0  }
0xa4: {  	s25 =	simm.s32 $0x1B8E;
	s24 =	sld [smem:$0x3FFE];
	[sflag:s23] =	ssyncadd.s32 $0xFFFFFFFF  }
0xa5: {  	s26 =	simm.s32 $execute0_lowered;
	[smem:$0x3FD2] =	sst s25  }
0xa6: {  	s5 =	sshll.u32 s26, $0x1;
	_ =	strace $0x8000004C;
	[dreg:$0x1] =	wrdreg $0xFFFFFFFF  }
0xa7: {  	s28 =	simm.s32 $_size_execute0_lowered;
	s3 =	sadd.s32 s3, s5;
	[dreg:$0x0] =	wrdreg $0x0  }
0xa8: {  	s5 =	sshll.u32 s28, $0x1;
	[dreg:$0x2] =	wrdreg s3  }
0xa9: {  	[dreg:$0x3] =	wrdreg s5  }
0xaa: {  	[dreg:$0x4] =	wrdreg $0xC0  }
0xab: {  	_ =	task [dreg:s7], $0x5FFFF  }
0xac: {  	[dreg:$0x1] =	wrdreg $0xFFFFFFFF  }
0xad: {  	[dreg:$0x0] =	wrdreg $0x60  }
0xae: {  	[dreg:$0x2] =	wrdreg s24  }
0xaf: {  	[dreg:$0x3] =	wrdreg s2  }
0xb0: {  	[dreg:$0x4] =	wrdreg $0x9  }
0xb1: {  	_ =	task.clear_ibuf [dreg:s7], $0x5FFFF;
	_ =	strace $0x9000004C  }
0xb2: {  	s29 =	simm.s32 $0x9;
	_ =	strace $0x8000004E  }
0xb3: {  	_ =	swait.ge [sflag:s29], $0x1  }
0xb4: {  	[sflag:s29] =	ssyncadd.s32 $0xFFFFFFFF  }
0xb5: {  	_ =	strace $0x9000004E  }
0xb6: {  	_ =	sfence  }
0xb7: {  	s30 =	sld [smem:$0x0];
	_ =	sdelay $0x2  }
0xb8: {  	s31 =	sshll.u32 s1, $0xD;
	s1 =	sshrl.u32 s1, $0x2  }
0xb9: {  	s3 =	sand.u32 $0x4000, s31;
	s1 =	sadd.s32 s1, s30  }
0xba: {  	s0 =	sor.u32 s3, s0;
	s1 =	sshll.u32 s1, $0x11  }
0xbb: {  	s0 =	sor.u32 s1, s0  }
0xbc: {  	s0 =	sadd.s32 $0x8F2B, s0  }
0xbd: {  	[sflag:s0] =	ssyncadd.remote.s32 $0x1  }
0xbe: {  	_ =	sfence.sel $0xFFFF  }
0xbf: {  	[dreg:$0x0] =	wrdreg $0xFFFFFFFF;
	(pc) =	sbr.abs _section_cstart, $3  }
0xc0: {  	[dreg:$0x1] =	wrdreg $0xFFFFFFFF  }
0xc1: {  	_ =	task.clear_ibuf [dreg:s7], $0x2FFFF;
	_ =	strace $0x9FFFFFFF  }
0xc2: {  	(tm) =	ssettm $0x7FFFFFFF  }
0xc3: {  	_ =	shalt  }
tec
execute0_lowered:
.L_overlay_start_1:
0x0: {  	(tag) =	ssettag $0x1  }
0x1: {  	s5 =	rddreg [dreg:$0x0];
	s1 =	srdreg.scid  }
0x2: {  	s0 =	stileid.u32;
	s2 =	rddreg [dreg:$0x1];
	s3 =	simm.s32 $0x0  }
0x3: {  	s11 =	simm.s32 $0x2710;
	s12 =	simm.s32 $0x4E20;
	s13 =	simm.s32 $0x7530  }
0x4: {  	s14 =	simm.s32 $0x9C40;
	s4 =	sand.u32 $0x1, s1;
	s6 =	sshll.u32 s0, $0x1  }
0x5: {  	s15 =	simm.s32 $0xC350;
	s16 =	simm.s32 $0x0;
	s6 =	sor.u32 s4, s6  }
0x6: {  	[smem:$0x7FF] =	sst s3;
	s7 =	ssub.s32 $0x2, s4;
	s6 =	smul.u32 $0x4E2, s6  }
0x7: {  	s1 =	rddreg [dreg:$0x2];
	_ =	strace $0x8000004D;
	s8 =	sshrl.u32 s7, $0x1  }
0x8: {  	s4 =	sadd.s32 $0x17600, s5;
	s10 =	ssub.s32 s7, s8;
	s9 =	sadd.s32 s6, s5  }
0x9: {  	s5 =	sadd.s32 $0xD800, s9;
	s6 =	sadd.s32 $0x3A00, s9;
	s7 =	sadd.s32 $0x8CC00, s9  }
0xa: {  	s8 =	sadd.s32 $0x17C00, s9;
	s9 =	smax.u32 s10, $0x1;
	s10 =	simm.s32 $0x1  }
.LBB2_1:
0xb: {  	[tilespmem:s3], [sflag:$0x1] =	stream.linear.gather [hbm4b:s4+s3], $0x2710, $0x38;
	[tilespmem:$0xEA60] =	vst v63  }
0xc: {  	_ =	swait.ge [sflag:s10], $0x2710  }
0xd: {  	[sflag:s10] =	ssyncset.done $0x0  }
0xe: {  	[sflag:s10] =	ssyncadd.s32 $0xFFFFD8F0  }
0xf: {  	[tilespmem:s11], [sflag:$0x1] =	stream.linear.gather [hbm4b:s2+s3], $0x2710, $0x38;
	[tilespmem:$0xEA60] =	vst v63  }
0x10: {  	_ =	swait.ge [sflag:s10], $0x2710  }
0x11: {  	[sflag:s10] =	ssyncset.done $0x0  }
0x12: {  	[sflag:s10] =	ssyncadd.s32 $0xFFFFD8F0  }
0x13: {  	[tilespmem:s12], [sflag:$0x1] =	stream.linear.gather [hbm4b:s5+s3], $0x2710, $0x38;
	[tilespmem:$0xEA60] =	vst v63  }
0x14: {  	_ =	swait.ge [sflag:s10], $0x2710  }
0x15: {  	[sflag:s10] =	ssyncset.done $0x0  }
0x16: {  	[sflag:s10] =	ssyncadd.s32 $0xFFFFD8F0  }
0x17: {  	[tilespmem:s13], [sflag:$0x1] =	stream.linear.gather [hbm4b:s6+s3], $0x2710, $0x38;
	[tilespmem:$0xEA60] =	vst v63  }
0x18: {  	_ =	swait.ge [sflag:s10], $0x2710  }
0x19: {  	[sflag:s10] =	ssyncset.done $0x0  }
0x1a: {  	[sflag:s10] =	ssyncadd.s32 $0xFFFFD8F0  }
0x1b: {  	[tilespmem:s14], [sflag:$0x1] =	stream.linear.gather [hbm4b:s7+s3], $0x2710, $0x38;
	[tilespmem:$0xEA60] =	vst v63  }
0x1c: {  	_ =	swait.ge [sflag:s10], $0x2710  }
0x1d: {  	[sflag:s10] =	ssyncset.done $0x0  }
0x1e: {  	s17 =	simm.s32 $0x0;
	[sflag:s10] =	ssyncadd.s32 $0xFFFFD8F0  }
0x1f: {  	v0 =	vld [tilespmem:s17+$0x7530]  }
0x20: {  	v1 =	vld [tilespmem:s17+$0x4E20];
	_ =	sdelay $0x6  }
0x21: {  	v0 =	vld.idx.msk [tilespmem:v0+s11+$0x0], $0xffff  }
0x22: {  	v2 =	vld.idx.msk [tilespmem:v1+s3+$0x0], $0xffff  }
0x23: {  	s18 =	simm.s32 $0x10;
	v3 =	vld [tilespmem:s17+$0x9C40]  }
0x24: {  	s19 =	simm.s32 $0x80;
	v1 =	vld [tilespmem:s18+$0x7530]  }
.LBB2_2:
0x25: {  	p0 =	sne.s32 s19, $0x9C00;
	v4 =	vld [tilespmem:s18+$0x4E20];
	_ =	sdelay $0x1  }
0x26: {  	v0 =	vadd.f32 v0, v2;
	_ =	sdelay $0x1  }
0x27: {  	v0 =	vadd.f32 v3, v0;
	_ =	sdelay $0x1  }
0x28: {  	[tilespmem:s17+$0xC350] =	vst v0;
	s17 =	smov.u32 s18  }
.Ltmp0:
0x29: {  	v0 =	vld.idx.msk [tilespmem:v1+s11+$0x0], $0xffff;
	(pc) =	sbr.rel @p0 .LBB2_2-.Ltmp0, $3  }
0x2a: {  	v2 =	vld.idx.msk [tilespmem:v4+s3+$0x0], $0xffff;
	_ =	sdelay $0x1  }
0x2b: {  	s18 =	sshra.s32 s19, $0x2;
	v3 =	vld [tilespmem:s17+$0x9C40]  }
0x2c: {  	s19 =	sadd.s32 $0x40, s19;
	v1 =	vld [tilespmem:s18+$0x7530]  }
0x2d: {  	_ = 	snop  }
0x2e: {  	v4 =	vld [tilespmem:s18+$0x4E20];
	_ =	sdelay $0x1  }
0x2f: {  	v0 =	vadd.f32 v0, v2;
	_ =	sdelay $0x1  }
0x30: {  	v0 =	vadd.f32 v3, v0;
	_ =	sdelay $0x1  }
0x31: {  	[tilespmem:s17+$0xC350] =	vst v0  }
0x32: {  	v0 =	vld.idx.msk [tilespmem:v1+s11+$0x0], $0xffff  }
0x33: {  	v62 =	vld.idx.msk [tilespmem:v4+s3+$0x0], $0xffff;
	_ =	sdelay $0x1  }
0x34: {  	v63 =	vld [tilespmem:s18+$0x9C40];
	_ =	sdelay $0x2  }
0x35: {  	v0 =	vadd.f32 v0, v62;
	_ =	sdelay $0x1  }
0x36: {  	s16 =	sadd.s32 $0x1, s16;
	v0 =	vadd.f32 v63, v0  }
0x37: {  	p0 =	sne.s32 s16, s9  }
.Ltmp1:
0x38: {  	[tilespmem:s18+$0xC350] =	vst v0;
	(pc) =	sbr.rel @p0 .LBB2_1-.Ltmp1, $4  }
0x39: {  	[hbm4b:s8+s3] =	stream.linear.scatter [tilespmem:s15], [sflag:$0x1], $0x2710, $0x38;
	[tilespmem:$0xEA60] =	vst v63  }
0x3a: {  	_ =	swait.ge [sflag:s10], $0x2710  }
0x3b: {  	[sflag:s10] =	ssyncset.done $0x0  }
0x3c: {  	[sflag:s10] =	ssyncadd.s32 $0xFFFFD8F0  }
0x3d: {  	_ =	sfence.sel $0x180000  }
0x3e: {  	[bflag:$0x0] =	sbarrier.arrive $0xFFFF  }
0x3f: {  	p0 =	sne.s32 s0, $0x0;
	_ =	strace $0x9000004D  }
0x40: {  	s0 =	sadd.s32 @!p0 $0x100000, s1;
	[bflag:$0x2] =	sbarrier.arrive $0xFFFF  }
0x41: {  	[sflag:s0] =	ssyncadd.tile.s32 @!p0 $0x1;
	_ =	shalt  }
.Lfunc_end2:
_tile_overlayer_lowered:
.L_overlay_start_2:
0x42: {  	(tag) =	ssettag $0x2  }
0x43: {  	s0 =	rddreg [dreg:$0x0];
	s2 =	stileid.u32  }
0x44: {  	s1 =	rddreg [dreg:$0x1];
	p0 =	sne.s32 s2, $0x0  }
0x45: {  	s3 =	rddreg [dreg:$0x2];
	[bflag:$0x3] =	sbarrier.arrive $0xFFFF;
	s2 =	simm.s32 @!p0 $0x1C01  }
0x46: {  	[timem:s3], [sflag:s2] =	dma.local @!p0 [hbm:s0], s1  }
0x47: {  	s0 =	simm.s32 @!p0 $0x1  }
0x48: {  	_ =	swait.ge @!p0 [sflag:s0], s1  }
0x49: {  	s1 =	ssub.s32 @!p0 $0x0, s1;
	[sflag:s0] =	ssyncset.done @!p0 $0x0  }
0x4a: {  	[sflag:s0] =	ssyncadd.s32 @!p0 s1  }
0x4b: {  	[bflag:$0x3] =	sbarrier.arrive $0xFFFF  }
0x4c: {  	_ =	shalt  }

// kernel: kernel.9.cloned.1.call-start
scs
__scs_entry_jumppad:
0x0: {  	(pc) =	sbr.rel $0x88, $3  }
0x1: {  	(tag) =	ssettag $0x0;
	lr =	simm.s32 $0x1  }
0x2: {  	[smem:$0x3F92] =	sst lr;
	_ =	strace $0xD0000000  }
0x3: {  	_ = 	snop  }
0x4: {  	_ = 	snop  }
0x5: {  	_ = 	snop  }
0x6: {  	_ = 	snop  }
0x7: {  	_ = 	snop  }
__scs_overlays_trampoline_lowered:
0x8: {  	[smem:$0x3FA1] =	sst s0  }
0x9: {  	[smem:$0x3FA2] =	sst s1  }
0xa: {  	[smem:$0x3FA3] =	sst s2  }
0xb: {  	[smem:$0x3FA4] =	sst s3  }
0xc: {  	[smem:$0x3FA5] =	sst s4  }
0xd: {  	[smem:$0x3FA6] =	sst s5  }
0xe: {  	[smem:$0x3FA7] =	sst s6  }
0xf: {  	[smem:$0x3FA8] =	sst s7  }
0x10: {  	[smem:$0x3FA9] =	sst s8  }
0x11: {  	[smem:$0x3FAA] =	sst s9;
	s0 =	simm.s32 @!p0 $0x0  }
0x12: {  	s1 =	sld [smem:$0x3F90];
	s0 =	simm.s32 @p0 $0x1  }
0x13: {  	[smem:$0x3FAB] =	sst s0;
	s0 =	simm.s32 @!p1 $0x0  }
0x14: {  	s2 =	sld [smem:$0x3F8F];
	s0 =	simm.s32 @p1 $0x1  }
0x15: {  	[smem:$0x3FAC] =	sst s0;
	s0 =	simm.s32 @!p2 $0x0  }
0x16: {  	s3 =	sld [smem:$0x3FDB];
	s0 =	simm.s32 @p2 $0x1  }
0x17: {  	s4 =	simm.s32 $0x1BF5;
	[smem:$0x3FAE] =	sst s0  }
0x18: {  	s0 =	sld [smem:$0x3F91];
	_ =	swait.ge [sflag:s4], $0x0  }
0x19: {  	s7 =	sld [smem:$0x3F92]  }
0x1a: {  	s8 =	sadd.s32 $0xFFFFE003, lr  }
0x1b: {  	s9 =	sadd.s32 $0xFFFFFEF7, lr;
	s5 =	simm.s32 $0xFFFFFFFF;
	p2 =	slt.u32 s8, $0xFFFFF086  }
0x1c: {  	p1 =	slt.u32 s9, $0xF7A;
	s5 =	simm.s32 @!p2 $0x0  }
0x1d: {  	s5 =	simm.s32 @p1 $0x1;
	p0 =	seq.s32 s7, s2  }
0x1e: {  	s7 =	smul.u32 @!p0 $0xF7A, s2;
	p2 =	seq.s32 @!p0 s5, $0x0  }
0x1f: {  	s9 =	smul.u32 $0xF7A, s1;
	s8 =	simm.s32 @!p0 $0x1BF5;
	p2 =	por !p2, p0  }
0x20: {  	[sflag:s8] =	ssyncset.s32 @!p0 $0xFFFFF086;
	s6 =	sadd.s32 @!p0 s3, s7;
	s7 =	simm.s32 @!p0 $0x108  }
0x21: {  	s3 =	sadd.s32 s3, s9;
	s6 =	sadd.s32 @!p0 $0x88, s6;
	s7 =	simm.s32 @p2 $0x1082  }
0x22: {  	[simem:s7], [sflag:s8] =	dma.local @!p0 [hbm:s6], $0xF7A  }
0x23: {  	s9 =	sor.u32 $0xD0000000, s2;
	s6 =	simm.s32 $0x108;
	_ =	swait.ge @!p0 [sflag:s8], $0x0  }
0x24: {  	s3 =	sadd.s32 $0x88, s3;
	s6 =	simm.s32 @!p1 $0x1082;
	[sflag:s4] =	ssyncset.s32 $0xFFFFF086  }
0x25: {  	[simem:s6], [sflag:s4] =	dma.local [hbm:s3], $0xF7A  }
0x26: {  	[smem:$0x3F92] =	sst s1;
	(tag) =	ssettag s2;
	_ =	strace s9  }
0x27: {  	s1 =	sld [smem:$0x3FA2]  }
0x28: {  	s2 =	sld [smem:$0x3FA3]  }
0x29: {  	s4 =	sld [smem:$0x3FA5]  }
0x2a: {  	p0 =	seq.s32 s5, $0x0;
	s5 =	sld [smem:$0x3FA6]  }
0x2b: {  	s6 =	sld [smem:$0x3FA7]  }
0x2c: {  	s7 =	sld [smem:$0x3FA8]  }
0x2d: {  	s3 =	simm.s32 $0x108;
	s8 =	sld [smem:$0x3FA9]  }
0x2e: {  	s3 =	simm.s32 @!p0 $0x1082;
	s9 =	sld [smem:$0x3FAA]  }
0x2f: {  	lr =	sadd.s32 s0, s3;
	s0 =	sld [smem:$0x3FA1]  }
0x30: {  	s3 =	sld [smem:$0x3FA4]  }
0x31: {  	[smem:$0x3FAD] =	sst s10  }
0x32: {  	s10 =	sld [smem:$0x3FAB];
	_ =	sdelay $0x3  }
0x33: {  	p0 =	seq.s32 s10, $0x1;
	s10 =	sld [smem:$0x3FAD];
	_ =	sdelay $0x3  }
0x34: {  	[smem:$0x3FAD] =	sst s10  }
0x35: {  	s10 =	sld [smem:$0x3FAC];
	_ =	sdelay $0x3  }
0x36: {  	p1 =	seq.s32 s10, $0x1;
	s10 =	sld [smem:$0x3FAD];
	_ =	sdelay $0x3  }
0x37: {  	[smem:$0x3FAD] =	sst s10  }
0x38: {  	s10 =	sld [smem:$0x3FAE]  }
0x39: {  	_ = 	snop;
	(pc) =	sbr.ind lr, $3  }
0x3a: {  	_ = 	snop  }
0x3b: {  	_ = 	snop  }
0x3c: {  	p2 =	seq.s32 s10, $0x1;
	s10 =	sld [smem:$0x3FAD]  }
0x3d: {  	_ =	shalt  }
0x3e: {  	_ =	shalt  }
0x3f: {  	_ =	shalt  }
0x40: {  	_ =	shalt  }
0x41: {  	_ =	shalt  }
0x42: {  	_ =	shalt  }
0x43: {  	_ =	shalt  }
0x44: {  	_ =	shalt  }
0x45: {  	_ =	shalt  }
0x46: {  	_ =	shalt  }
0x47: {  	_ =	shalt  }
0x48: {  	_ =	shalt  }
0x49: {  	_ =	shalt  }
0x4a: {  	_ =	shalt  }
0x4b: {  	_ =	shalt  }
0x4c: {  	_ =	shalt  }
0x4d: {  	_ =	shalt  }
0x4e: {  	_ =	shalt  }
0x4f: {  	_ =	shalt  }
0x50: {  	_ =	shalt  }
0x51: {  	_ =	shalt  }
0x52: {  	_ =	shalt  }
0x53: {  	_ =	shalt  }
0x54: {  	_ =	shalt  }
0x55: {  	_ =	shalt  }
0x56: {  	_ =	shalt  }
0x57: {  	_ =	shalt  }
0x58: {  	_ =	shalt  }
0x59: {  	_ =	shalt  }
0x5a: {  	_ =	shalt  }
0x5b: {  	_ =	shalt  }
0x5c: {  	_ =	shalt  }
0x5d: {  	_ =	shalt  }
0x5e: {  	_ =	shalt  }
0x5f: {  	_ =	shalt  }
0x60: {  	_ =	shalt  }
0x61: {  	_ =	shalt  }
0x62: {  	_ =	shalt  }
0x63: {  	_ =	shalt  }
0x64: {  	_ =	shalt  }
0x65: {  	_ =	shalt  }
0x66: {  	_ =	shalt  }
0x67: {  	_ =	shalt  }
0x68: {  	_ =	shalt  }
0x69: {  	_ =	shalt  }
0x6a: {  	_ =	shalt  }
0x6b: {  	_ =	shalt  }
0x6c: {  	_ =	shalt  }
0x6d: {  	_ =	shalt  }
0x6e: {  	_ =	shalt  }
0x6f: {  	_ =	shalt  }
0x70: {  	_ =	shalt  }
0x71: {  	_ =	shalt  }
0x72: {  	_ =	shalt  }
0x73: {  	_ =	shalt  }
0x74: {  	_ =	shalt  }
0x75: {  	_ =	shalt  }
0x76: {  	_ =	shalt  }
0x77: {  	_ =	shalt  }
0x78: {  	_ =	shalt  }
0x79: {  	_ =	shalt  }
0x7a: {  	_ =	shalt  }
0x7b: {  	_ =	shalt  }
0x7c: {  	_ =	shalt  }
0x7d: {  	_ =	shalt  }
0x7e: {  	_ =	shalt  }
0x7f: {  	_ =	shalt  }
0x80: {  	_ =	shalt  }
0x81: {  	_ =	shalt  }
0x82: {  	_ =	shalt  }
0x83: {  	_ =	shalt  }
0x84: {  	_ =	shalt  }
0x85: {  	_ =	shalt  }
0x86: {  	_ =	shalt  }
0x87: {  	_ =	shalt  }
.Lfunc_end0:
.L_simem_size_0:
called_computation_lowered:
.L_overlay_start_0:
0x88: {  	s2 =	sld [smem:$0x3FD9]  }
0x89: {  	s3 =	sld [smem:$0x3FFE];
	_ =	sdelay $0x1  }
0x8a: {  	s1 =	srdreg.scid  }
0x8b: {  	s0 =	sand.u32 $0x1, s1  }
0x8c: {  	s17 =	sshll.u32 s0, $0xA;
	s2 =	sadd.s32 s3, s2  }
0x8d: {  	s2 =	sadd.s32 s2, s17  }
0x8e: {  	[smem:$0x3FB9] =	sst s2  }
0x8f: {  	_ = 	snop  }
0x90: {  	s2 =	sld [smem:$0x3FD0];
	(tm) =	ssettm $0x1  }
0x91: {  	s18 =	sld [smem:$0x3FFB];
	_ =	sdelay $0x3  }
0x92: {  	_ =	strace s18  }
0x93: {  	s3 =	sld [smem:$0x3FFC];
	_ =	sdelay $0x3  }
0x94: {  	_ =	strace s3  }
0x95: {  	s3 =	sld [smem:$0x3FFD];
	_ =	sdelay $0x3  }
0x96: {  	_ =	strace s3  }
0x97: {  	_ =	strace $0x8FFFFFFF  }
0x98: {  	s19 =	sld [smem:$0x3FDB];
	_ =	sdelay $0x1  }
0x99: {  	s4 =	simm.s32 $_scs_section_size  }
0x9a: {  	s5 =	simm.s32 $_size__tile_overlayer_lowered;
	s6 =	simm.s32 $_tile_overlayer_lowered  }
0x9b: {  	s22 =	simm.s32 $0x1BFF;
	s21 =	sshll.u32 s6, $0x1;
	s3 =	sadd.s32 s4, s19  }
0x9c: {  	s7 =	simm.s32 $0x0;
	s20 =	sshll.u32 s5, $0x1;
	s5 =	sadd.s32 s21, s3  }
0x9d: {  	[timem:s7], [sflag:s22] =	dma.local [hbm:s5], s20  }
0x9e: {  	_ =	swait.ge [sflag:s22], s20  }
0x9f: {  	s4 =	ssub.s32 $0x0, s20;
	[sflag:s22] =	ssyncset.done $0x0  }
0xa0: {  	[sflag:s22] =	ssyncadd.s32 s4;
	_ =	sdelay $0x1  }
0xa1: {  	s23 =	simm.s32 $0x1B8B  }
0xa2: {  	_ =	swait.ge [sflag:s23], $0x1  }
0xa3: {  	[sflag:s23] =	ssyncset.done $0x0  }
0xa4: {  	s25 =	simm.s32 $0x1B8E;
	s24 =	sld [smem:$0x3FFE];
	[sflag:s23] =	ssyncadd.s32 $0xFFFFFFFF  }
0xa5: {  	s26 =	simm.s32 $execute0_lowered;
	[smem:$0x3FD2] =	sst s25  }
0xa6: {  	s5 =	sshll.u32 s26, $0x1;
	_ =	strace $0x80000046;
	[dreg:$0x1] =	wrdreg $0xFFFFFFFF  }
0xa7: {  	s28 =	simm.s32 $_size_execute0_lowered;
	s3 =	sadd.s32 s3, s5;
	[dreg:$0x0] =	wrdreg $0x0  }
0xa8: {  	s5 =	sshll.u32 s28, $0x1;
	[dreg:$0x2] =	wrdreg s3  }
0xa9: {  	[dreg:$0x3] =	wrdreg s5  }
0xaa: {  	[dreg:$0x4] =	wrdreg $0xC0  }
0xab: {  	_ =	task [dreg:s7], $0x5FFFF  }
0xac: {  	[dreg:$0x1] =	wrdreg $0xFFFFFFFF  }
0xad: {  	[dreg:$0x0] =	wrdreg $0x60  }
0xae: {  	[dreg:$0x2] =	wrdreg s24  }
0xaf: {  	[dreg:$0x3] =	wrdreg s2  }
0xb0: {  	[dreg:$0x4] =	wrdreg $0xC4900  }
0xb1: {  	[dreg:$0x5] =	wrdreg $0x1FD100  }
0xb2: {  	[dreg:$0x6] =	wrdreg $0x9  }
0xb3: {  	_ =	task.clear_ibuf [dreg:s7], $0x7FFFF;
	_ =	strace $0x90000046  }
0xb4: {  	s29 =	simm.s32 $0x9;
	_ =	strace $0x80000048  }
0xb5: {  	_ =	swait.ge [sflag:s29], $0x1  }
0xb6: {  	[sflag:s29] =	ssyncadd.s32 $0xFFFFFFFF  }
0xb7: {  	_ =	strace $0x90000048  }
0xb8: {  	_ =	sfence  }
0xb9: {  	s30 =	sld [smem:$0x0];
	_ =	sdelay $0x2  }
0xba: {  	s31 =	sshll.u32 s1, $0xD;
	s1 =	sshrl.u32 s1, $0x2  }
0xbb: {  	s3 =	sand.u32 $0x4000, s31;
	s1 =	sadd.s32 s1, s30  }
0xbc: {  	s0 =	sor.u32 s3, s0;
	s1 =	sshll.u32 s1, $0x11  }
0xbd: {  	s0 =	sor.u32 s1, s0  }
0xbe: {  	s0 =	sadd.s32 $0x8F2B, s0  }
0xbf: {  	[sflag:s0] =	ssyncadd.remote.s32 $0x1  }
0xc0: {  	_ =	sfence.sel $0xFFFF  }
0xc1: {  	[dreg:$0x0] =	wrdreg $0xFFFFFFFF;
	(pc) =	sbr.abs _section_cstart, $3  }
0xc2: {  	[dreg:$0x1] =	wrdreg $0xFFFFFFFF  }
0xc3: {  	_ =	task.clear_ibuf [dreg:s7], $0x2FFFF;
	_ =	strace $0x9FFFFFFF  }
0xc4: {  	(tm) =	ssettm $0x7FFFFFFF  }
0xc5: {  	_ =	shalt  }
tec
execute0_lowered:
.L_overlay_start_1:
0x0: {  	(tag) =	ssettag $0x1  }
0x1: {  	s8 =	rddreg [dreg:$0x0]  }
0x2: {  	s2 =	rddreg [dreg:$0x1]  }
0x3: {  	s3 =	rddreg [dreg:$0x2]  }
0x4: {  	s4 =	rddreg [dreg:$0x3]  }
0x5: {  	s1 =	stileid.u32;
	s5 =	simm.s32 $0x0;
	s11 =	srdreg.scid  }
0x6: {  	s24 =	simm.s32 $0x50;
	s25 =	simm.s32 $0xC440;
	s9 =	smul.u32 $0x4E200, s1  }
0x7: {  	s28 =	simm.s32 $0x0;
	[smem:$0x7FF] =	sst s5;
	s7 =	smul.u32 $0x9C4, s1  }
0x8: {  	s10 =	smul.u32 $0x13880, s1;
	s6 =	sadd.s32 $0x17600, s8;
	s22 =	sand.u32 $0x1, s11  }
0x9: {  	s30 =	sshll.u32 s1, $0x6;
	p2 =	seq.s32 s1, $0x0;
	_ =	strace $0x80000047  }
0xa: {  	s13 =	ssub.s32 $0x2, s22;
	s23 =	sor.u32 s1, s22;
	p1 =	seq.s32 s22, $0x0  }
0xb: {  	s22 =	simm.s32 $0x4E20;
	s15 =	sadd.s32 s9, s8;
	s26 =	sadd.s32 s7, s8  }
0xc: {  	s12 =	sshrl.u32 s10, $0x3;
	s7 =	sadd.s32 $0xA02800, s8;
	s29 =	sshrl.u32 s13, $0x1  }
0xd: {  	s9 =	sshrl.u32 s9, $0x2;
	s17 =	sadd.s32 s10, s3;
	p0 =	sne.s32 s23, $0x0  }
0xe: {  	s23 =	simm.s32 $0x9C40;
	s14 =	sadd.s32 s12, s8;
	s8 =	sadd.s32 $0xA02E00, s8  }
0xf: {  	s16 =	ssub.s32 s13, s29;
	s31 =	sadd.s32 s9, s3;
	s9 =	sor.u32 $0x1C02, s30  }
0x10: {  	s10 =	sadd.s32 $0x3A00, s26;
	s11 =	sadd.s32 $0xD800, s26;
	s15 =	sadd.s32 $0x3E800, s15  }
.Ltmp0:
0x11: {  	s26 =	simm.s32 $0x1;
	s18 =	sadd.s32 $0x3E80, s31;
	(pc) =	sbr.rel .LBB2_1-.Ltmp0, $4  }
0x12: {  	s19 =	sadd.s32 $0x7D00, s31;
	s20 =	sadd.s32 $0xBB80, s31;
	s21 =	sadd.s32 $0xFA00, s31  }
0x13: {  	s12 =	sadd.s32 $0xA03400, s14;
	s13 =	sadd.s32 $0xA2A600, s14;
	s14 =	smax.u32 s16, $0x1  }
0x14: {  	s16 =	sshrl.u32 s17, $0x3;
	s17 =	simm.s32 $0x2;
	s18 =	sshrl.u32 s18, $0x3  }
0x15: {  	v0 =	vimm.f32 $1.000000000e+00;
	s19 =	sshrl.u32 s19, $0x3;
	s20 =	sshrl.u32 s20, $0x3;
	s21 =	sshrl.u32 s21, $0x3  }
.LBB2_7:
0x16: {  	[sflag:s17] =	ssyncadd.s32 $0xFFFFFFB0  }
0x17: {  	[bflag:$0x0] =	sbarrier.arrive $0xFFFF  }
0x18: {  	[hbm:s13], [sflag:s9] =	dma.local [spmem:s16], $0x2710  }
0x19: {  	_ =	swait.ge [sflag:s17], $0x2710  }
0x1a: {  	[sflag:s17] =	ssyncset.done $0x0  }
0x1b: {  	s29 =	sshrl.u32 @p2 s4, $0x3;
	[sflag:s17] =	ssyncadd.s32 $0xFFFFD8F0  }
0x1c: {  	[hbm:s8], [sflag:s9] =	dma.local @p2 [spmem:s29], $0x4E2  }
0x1d: {  	s29 =	simm.s32 @p2 $0x2  }
0x1e: {  	_ =	swait.ge @p2 [sflag:s29], $0x4E2  }
0x1f: {  	[sflag:s29] =	ssyncset.done @p2 $0x0  }
0x20: {  	[sflag:s29] =	ssyncadd.s32 @p2 $0xFFFFFB1E  }
.LBB2_8:
0x21: {  	s28 =	sadd.s32 $0x1, s28  }
0x22: {  	p3 =	sne.s32 s28, s14  }
.Ltmp1:
0x23: {  	_ = 	snop;
	(pc) =	sbr.rel @!p3 .LBB2_9-.Ltmp1, $1  }
0x24: {  	_ =	sdelay $0x3  }
.LBB2_1:
0x25: {  	[spmem:s16], [sflag:s9] =	dma.local [hbm:s2], $0x7D0  }
0x26: {  	_ =	swait.ge [sflag:s17], $0x7D0  }
0x27: {  	[sflag:s17] =	ssyncset.done $0x0  }
0x28: {  	[sflag:s17] =	ssyncadd.s32 $0xFFFFF830  }
0x29: {  	[spmem:s18], [sflag:s9] =	dma.local [hbm:s2], $0x7D0  }
0x2a: {  	_ =	swait.ge [sflag:s17], $0x7D0  }
0x2b: {  	[sflag:s17] =	ssyncset.done $0x0  }
0x2c: {  	[sflag:s17] =	ssyncadd.s32 $0xFFFFF830  }
0x2d: {  	[spmem:s19], [sflag:s9] =	dma.local [hbm:s2], $0x7D0  }
0x2e: {  	_ =	swait.ge [sflag:s17], $0x7D0  }
0x2f: {  	[sflag:s17] =	ssyncset.done $0x0  }
0x30: {  	[sflag:s17] =	ssyncadd.s32 $0xFFFFF830  }
0x31: {  	[spmem:s20], [sflag:s9] =	dma.local [hbm:s2], $0x7D0  }
0x32: {  	_ =	swait.ge [sflag:s17], $0x7D0  }
0x33: {  	[sflag:s17] =	ssyncset.done $0x0  }
0x34: {  	[sflag:s17] =	ssyncadd.s32 $0xFFFFF830  }
0x35: {  	[spmem:s21], [sflag:s9] =	dma.local [hbm:s2], $0x7D0  }
0x36: {  	_ =	swait.ge [sflag:s17], $0x7D0  }
0x37: {  	[sflag:s17] =	ssyncset.done $0x0  }
0x38: {  	s29 =	sshrl.u32 @!p0 s4, $0x3;
	[sflag:s17] =	ssyncadd.s32 $0xFFFFF830  }
0x39: {  	[spmem:s29], [sflag:s9] =	dma.local @!p0 [hbm:s7], $0x4E2  }
0x3a: {  	s29 =	simm.s32 @!p0 $0x2  }
0x3b: {  	_ =	swait.ge @!p0 [sflag:s29], $0x4E2  }
0x3c: {  	[sflag:s29] =	ssyncset.done @!p0 $0x0  }
.Ltmp2:
0x3d: {  	[sflag:s29] =	ssyncadd.s32 @!p0 $0xFFFFFB1E;
	(pc) =	sbr.rel @!p1 .LBB2_2-.Ltmp2, $4  }
0x3e: {  	[tilespmem:s22], [sflag:$0x2] =	stream.linear.gather [hbm4b:s10+s5], $0x4E20, $0x38;
	[tilespmem:$0x1FF88] =	vst v63  }
0x3f: {  	_ =	swait.ge [sflag:s17], $0x4E20  }
0x40: {  	[sflag:s17] =	ssyncset.done $0x0  }
0x41: {  	[sflag:s17] =	ssyncadd.s32 $0xFFFFB1E0  }
0x42: {  	[tilespmem:$0xC440] =	vst v0  }
0x43: {  	[tilespmem:$0xC450] =	vst v0  }
0x44: {  	[tilespmem:$0xC460] =	vst v0  }
0x45: {  	[tilespmem:$0xC470] =	vst v0  }
0x46: {  	[tilespmem:$0xC480] =	vst v0  }
0x47: {  	[bflag:$0x0] =	sbarrier.arrive $0xFFFF  }
0x48: {  	[tilespmem:s23], [sflag:$0x2] =	stream.linear.gather [hbm4b:s15+s5], $0x2800, $0x38;
	[tilespmem:$0x1FF88] =	vst v63  }
0x49: {  	_ =	swait.ge [sflag:s17], $0x2800  }
0x4a: {  	[sflag:s17] =	ssyncset.done $0x0  }
0x4b: {  	s29 =	simm.s32 $0x4E20;
	[sflag:s17] =	ssyncadd.s32 $0xFFFFD800  }
0x4c: {  	[spmem:s3] =	stream.indirect.scatter.add.f32 [tilespmem:s23], [sflag:$0x2], $0x80, s29, s24, $0xb8;
	[tilespmem:$0x1FF88] =	vst v63  }
0x4d: {  	_ =	swait.ge [sflag:s17], $0x2800  }
0x4e: {  	[sflag:s17] =	ssyncset.done $0x0  }
0x4f: {  	[sflag:s17] =	ssyncadd.s32 $0xFFFFD800  }
0x50: {  	[spmem:s4] =	stream.indirect.scatter.add.f32 [tilespmem:s25], [sflag:$0x2], $0x1, s29, s24, $0xb8;
	[tilespmem:$0x1FF88] =	vst v63  }
0x51: {  	_ =	swait.ge [sflag:s17], $0x50  }
0x52: {  	s30 =	smov.u32 s15;
	s29 =	simm.s32 $0x140;
	[sflag:s17] =	ssyncset.done $0x0  }
.LBB2_6:
0x53: {  	p3 =	sne.s32 s29, $0x13740;
	[sflag:s17] =	ssyncadd.s32 $0xFFFFFFB0;
	s30 =	sadd.s32 $0x500, s30  }
0x54: {  	[tilespmem:s23], [sflag:$0x2] =	stream.linear.gather [hbm4b:s30+s5], $0x2800, $0x38;
	[tilespmem:$0x1FF88] =	vst v63  }
0x55: {  	s31 =	smov.u32 s29;
	s29 =	sadd.s32 $0x140, s29;
	_ =	swait.ge [sflag:s17], $0x2800  }
0x56: {  	s31 =	sshra.s32 s31, $0x2;
	[sflag:s17] =	ssyncset.done $0x0  }
0x57: {  	s31 =	sadd.s32 $0x4E20, s31;
	[sflag:s17] =	ssyncadd.s32 $0xFFFFD800  }
0x58: {  	[spmem:s3] =	stream.indirect.scatter.add.f32 [tilespmem:s23], [sflag:$0x2], $0x80, s31, s24, $0xb8;
	[tilespmem:$0x1FF88] =	vst v63  }
0x59: {  	_ =	swait.ge [sflag:s17], $0x2800  }
.Ltmp3:
0x5a: {  	[sflag:s17] =	ssyncset.done $0x0;
	(pc) =	sbr.rel @p3 .LBB2_6-.Ltmp3, $4  }
0x5b: {  	[sflag:s17] =	ssyncadd.s32 $0xFFFFD800  }
0x5c: {  	[spmem:s4] =	stream.indirect.scatter.add.f32 [tilespmem:s25], [sflag:$0x2], $0x1, s31, s24, $0xb8;
	[tilespmem:$0x1FF88] =	vst v63  }
0x5d: {  	_ =	swait.ge [sflag:s17], $0x50  }
0x5e: {  	[sflag:s17] =	ssyncset.done $0x0  }
.Ltmp4:
0x5f: {  	_ = 	snop;
	(pc) =	sbr.rel .LBB2_7-.Ltmp4, $1  }
0x60: {  	_ =	sdelay $0x3  }
.LBB2_2:
0x61: {  	s29 =	simm.s32 $0x0  }
0x62: {  	[tilespmem:s29], [sflag:$0x2] =	stream.linear.gather [hbm4b:s11+s29], $0x4E20, $0x38;
	[tilespmem:$0x1FF88] =	vst v63  }
0x63: {  	_ =	swait.ge [sflag:s17], $0x4E20  }
0x64: {  	[sflag:s17] =	ssyncset.done $0x0  }
0x65: {  	[sflag:s17] =	ssyncadd.s32 $0xFFFFB1E0  }
0x66: {  	[tilespmem:$0xC440] =	vst v0  }
0x67: {  	[tilespmem:$0xC450] =	vst v0  }
0x68: {  	[tilespmem:$0xC460] =	vst v0  }
0x69: {  	[tilespmem:$0xC470] =	vst v0  }
0x6a: {  	[tilespmem:$0xC480] =	vst v0  }
0x6b: {  	s29 =	simm.s32 $0x0;
	[bflag:$0x0] =	sbarrier.arrive $0xFFFF  }
0x6c: {  	[tilespmem:s23], [sflag:$0x1] =	stream.indirect.gather [hbm4b:s6+s24], $0x80, s29, s24, $0xb8;
	[tilespmem:$0x1FF88] =	vst v63  }
0x6d: {  	_ =	swait.ge [sflag:s26], $0x2800  }
0x6e: {  	[sflag:s26] =	ssyncset.done $0x0  }
0x6f: {  	s29 =	simm.s32 $0x4E20;
	[sflag:s26] =	ssyncadd.s32 $0xFFFFD800  }
0x70: {  	[spmem:s3] =	stream.indirect.scatter.add.f32 [tilespmem:s23], [sflag:$0x2], $0x80, s29, s24, $0xb8;
	[tilespmem:$0x1FF88] =	vst v63  }
0x71: {  	_ =	swait.ge [sflag:s17], $0x2800  }
0x72: {  	s30 =	simm.s32 $0x280;
	s29 =	simm.s32 $0x140;
	[sflag:s17] =	ssyncset.done $0x0  }
.LBB2_3:
0x73: {  	s31 =	sshra.s32 s29, $0x2  }
0x74: {  	[sflag:s17] =	ssyncadd.s32 $0xFFFFD800;
	s29 =	smov.u32 s30;
	s0 =	sadd.s32 $0x140, s30  }
0x75: {  	[tilespmem:s23], [sflag:$0x1] =	stream.indirect.gather [hbm4b:s6+s24], $0x80, s31, s24, $0xb8;
	[tilespmem:$0x1FF88] =	vst v63  }
0x76: {  	p3 =	sne.s32 s30, $0x13740;
	_ =	swait.ge [sflag:s26], $0x2800  }
.Ltmp5:
0x77: {  	[sflag:s26] =	ssyncset.done $0x0;
	(pc) =	sbr.rel @p3 .LBB2_3-.Ltmp5, $4  }
0x78: {  	s30 =	sadd.s32 $0x4E20, s31;
	[sflag:s26] =	ssyncadd.s32 $0xFFFFD800  }
0x79: {  	[spmem:s3] =	stream.indirect.scatter.add.f32 [tilespmem:s23], [sflag:$0x2], $0x80, s30, s24, $0xb8;
	[tilespmem:$0x1FF88] =	vst v63  }
0x7a: {  	_ =	swait.ge [sflag:s17], $0x2800  }
0x7b: {  	s30 =	smov.u32 s0;
	[sflag:s17] =	ssyncset.done $0x0  }
0x7c: {  	s0 =	sshra.s32 s29, $0x2;
	[sflag:s17] =	ssyncadd.s32 $0xFFFFD800  }
0x7d: {  	[tilespmem:s23], [sflag:$0x1] =	stream.indirect.gather [hbm4b:s6+s24], $0x80, s0, s24, $0xb8;
	[tilespmem:$0x1FF88] =	vst v63  }
0x7e: {  	_ =	swait.ge [sflag:s26], $0x2800  }
0x7f: {  	[sflag:s26] =	ssyncset.done $0x0  }
0x80: {  	s0 =	sadd.s32 $0x4E20, s0;
	[sflag:s26] =	ssyncadd.s32 $0xFFFFD800  }
0x81: {  	[spmem:s3] =	stream.indirect.scatter.add.f32 [tilespmem:s23], [sflag:$0x2], $0x80, s0, s24, $0xb8;
	[tilespmem:$0x1FF88] =	vst v63  }
0x82: {  	_ =	swait.ge [sflag:s17], $0x2800  }
0x83: {  	[sflag:s17] =	ssyncset.done $0x0  }
0x84: {  	[sflag:s17] =	ssyncadd.s32 $0xFFFFD800  }
.Ltmp6:
0x85: {  	[bflag:$0x0] =	sbarrier.arrive $0xFFFF;
	(pc) =	sbr.rel .LBB2_8-.Ltmp6, $4  }
0x86: {  	[hbm:s12], [sflag:s9] =	dma.local [spmem:s16], $0x2710  }
0x87: {  	_ =	swait.ge [sflag:s17], $0x2710  }
0x88: {  	[sflag:s17] =	ssyncset.done $0x0  }
0x89: {  	[sflag:s17] =	ssyncadd.s32 $0xFFFFD8F0  }
.LBB2_9:
0x8a: {  	_ =	sfence.sel $0x180000  }
0x8b: {  	[bflag:$0x0] =	sbarrier.arrive $0xFFFF  }
0x8c: {  	_ =	strace $0x90000047  }
0x8d: {  	[bflag:$0x2] =	sbarrier.arrive $0xFFFF  }
0x8e: {  	p0 =	sne.s32 s1, $0x0;
	s0 =	rddreg [dreg:$0x4]  }
0x8f: {  	s0 =	sadd.s32 @!p0 $0x100000, s0  }
0x90: {  	[sflag:s0] =	ssyncadd.tile.s32 @!p0 $0x1;
	_ =	shalt  }
.Lfunc_end2:
_tile_overlayer_lowered:
.L_overlay_start_2:
0x91: {  	(tag) =	ssettag $0x2  }
0x92: {  	s0 =	rddreg [dreg:$0x0];
	s2 =	stileid.u32  }
0x93: {  	s1 =	rddreg [dreg:$0x1];
	p0 =	sne.s32 s2, $0x0  }
0x94: {  	s3 =	rddreg [dreg:$0x2];
	[bflag:$0x3] =	sbarrier.arrive $0xFFFF;
	s2 =	simm.s32 @!p0 $0x1C02  }
0x95: {  	[timem:s3], [sflag:s2] =	dma.local @!p0 [hbm:s0], s1  }
0x96: {  	s0 =	simm.s32 @!p0 $0x2  }
0x97: {  	_ =	swait.ge @!p0 [sflag:s0], s1  }
0x98: {  	s1 =	ssub.s32 @!p0 $0x0, s1;
	[sflag:s0] =	ssyncset.done @!p0 $0x0  }
0x99: {  	[sflag:s0] =	ssyncadd.s32 @!p0 s1  }
0x9a: {  	[bflag:$0x3] =	sbarrier.arrive $0xFFFF  }
0x9b: {  	_ =	shalt  }

</sc_bundles>
